<compile_context>
chip_gen: v7x
topology: tpu7x:2x2x1
jax: 0.10.2.dev20260603
libtpu: 0.0.44.dev20260713+nightly
codegen_flags: <defaults>
</compile_context>

<pallas_src>
import functools

import jax
import jax.numpy as jnp
from jax import lax
from jax.experimental import pallas as pl
from jax.experimental.pallas import tpu as pltpu
from jax.experimental.pallas import tpu_sc as plsc

NUM_BINS = 64
F = 32
N = 1048576
NC, NS, L = 2, 16, 16
NW = NC * NS
NROW128 = N // 4
ROWS_W = NROW128 // NW
CHUNK_ROWS = 256
CHUNK_W = CHUNK_ROWS * 128
NCHUNK = ROWS_W // CHUNK_ROWS
UNROLL = 8
HIST_W = NUM_BINS * F


def _minmax_body(x_ref, min_ref, max_ref):
    i = pl.program_id(0)
    bmin = jnp.min(x_ref[...], axis=0, keepdims=True)
    bmax = jnp.max(x_ref[...], axis=0, keepdims=True)

    @pl.when(i == 0)
    def _():
        min_ref[...] = bmin
        max_ref[...] = bmax

    @pl.when(i > 0)
    def _():
        min_ref[...] = jnp.minimum(min_ref[...], bmin)
        max_ref[...] = jnp.maximum(max_ref[...], bmax)


def _colwise_minmax(x128):
    rows = x128.shape[0]
    block_rows = 2048
    grid = rows // block_rows
    mn, mx = pl.pallas_call(
        _minmax_body,
        grid=(grid,),
        in_specs=[pl.BlockSpec((block_rows, 128), lambda i: (i, 0))],
        out_specs=[
            pl.BlockSpec((1, 128), lambda i: (0, 0)),
            pl.BlockSpec((1, 128), lambda i: (0, 0)),
        ],
        out_shape=[
            jax.ShapeDtypeStruct((1, 128), jnp.float32),
            jax.ShapeDtypeStruct((1, 128), jnp.float32),
        ],
    )(x128)
    return mn, mx


def _sc_hist_body(x_hbm, invw_hbm, bias2_hbm, out_hbm, buf0, buf1, cvec,
                  hist_a, hist_b, hist_c, hist_d, sem0, sem1):
    buf = [buf0, buf1]
    sem = [sem0, sem1]
    wid = lax.axis_index("s") * NC + lax.axis_index("c")
    base = wid * ROWS_W

    pltpu.sync_copy(invw_hbm, cvec.at[pl.ds(0, F)])
    pltpu.sync_copy(bias2_hbm, cvec.at[pl.ds(F, F)])
    invw_g = [cvec[pl.ds(0, L)], cvec[pl.ds(L, L)]]
    bias2_g = [cvec[pl.ds(F, L)], cvec[pl.ds(F + L, L)]]
    iota = lax.iota(jnp.int32, L)
    lo_g = [iota * NUM_BINS, (iota + L) * NUM_BINS]
    hi_g = [lo_g[0] + (NUM_BINS - 1), lo_g[1] + (NUM_BINS - 1)]
    ones = jnp.full((L,), 1.0, jnp.float32)
    zeros = jnp.zeros((L,), jnp.float32)
    hist_g = [hist_a, hist_b, hist_c, hist_d]

    def zero_body(i, _):
        for h in hist_g:
            h[pl.ds(i * L, L)] = zeros
        return 0

    lax.fori_loop(0, HIST_W // L, zero_body, 0)

    def compute(b):
        @plsc.parallel_loop(0, CHUNK_ROWS, unroll=2)
        def vec_body(r):
            for k in range(8):
                g = k % 2
                x = buf[b][r, pl.ds(k * L, L)]
                t = x * invw_g[g] + bias2_g[g]
                idx = t.astype(jnp.int32)
                idx = jnp.minimum(jnp.maximum(idx, lo_g[g]), hi_g[g])
                plsc.addupdate_scatter(hist_g[k % 4], [idx], ones)

    def start(ch, b):
        pltpu.async_copy(
            x_hbm.at[pl.ds(base + ch * CHUNK_ROWS, CHUNK_ROWS)], buf[b],
            sem[b])

    def wait(b):
        pltpu.make_async_copy(x_hbm.at[pl.ds(0, CHUNK_ROWS)], buf[b],
                              sem[b]).wait()

    start(0, 0)

    @pl.loop(0, NCHUNK, step=2)
    def chunk_body(ch):
        wait(0)
        start(ch + 1, 1)
        compute(0)
        wait(1)

        @pl.when(ch + 2 < NCHUNK)
        def _():
            start(ch + 2, 0)

        compute(1)

    def merge_body(i, _):
        s = pl.ds(i * L, L)
        hist_a[s] = (hist_a[s] + hist_b[s]) + (hist_c[s] + hist_d[s])
        return 0

    lax.fori_loop(0, HIST_W // L, merge_body, 0)
    pltpu.sync_copy(hist_a, out_hbm.at[wid])


def _sc_hist(x_flat, invw, bias2):
    mesh = plsc.VectorSubcoreMesh(
        core_axis_name="c", subcore_axis_name="s", num_cores=NC,
        num_subcores=NS)
    run = pl.kernel(
        _sc_hist_body,
        out_type=jax.ShapeDtypeStruct((NW, HIST_W), jnp.float32),
        mesh=mesh,
        scratch_types=[
            pltpu.VMEM((CHUNK_ROWS, 128), jnp.float32),
            pltpu.VMEM((CHUNK_ROWS, 128), jnp.float32),
            pltpu.VMEM((2 * F,), jnp.float32),
            pltpu.VMEM((HIST_W,), jnp.float32),
            pltpu.VMEM((HIST_W,), jnp.float32),
            pltpu.VMEM((HIST_W,), jnp.float32),
            pltpu.VMEM((HIST_W,), jnp.float32),
            pltpu.SemaphoreType.DMA,
            pltpu.SemaphoreType.DMA,
        ],
        compiler_params=pltpu.CompilerParams(
            needs_layout_passes=False, use_tc_tiling_on_sc=True),
    )
    return run(x_flat, invw, bias2)


@jax.jit
def kernel(inputs):
    x128 = inputs.reshape(N // 4, 128)
    mn, mx = _colwise_minmax(x128)
    col_min = jnp.min(mn.reshape(4, F), axis=0)
    col_max = jnp.max(mx.reshape(4, F), axis=0)
    mins = col_min - 0.5
    maxs = col_max + 0.5
    width = (maxs - mins) / NUM_BINS
    invw = 1.0 / width
    col = jnp.arange(F, dtype=jnp.float32)
    bias2 = -mins * invw + col * NUM_BINS

    tiles = _sc_hist(x128, invw, bias2)
    counts = tiles.sum(axis=0).reshape(F, NUM_BINS)
    return counts.T

# --- scband reference (transcript-rebuilt; emitter-appended) ---
"""Pipeline reference for scband-histogram-layer-41051297415449 (READ-ONLY COPY).

The authoritative reference and input builder live on the scoring server;
editing this copy changes nothing except your own understanding.
"""

import jax, jax.numpy as jnp
import numpy as np

NUM_BINS = 64


def setup_inputs(seed: int = 0) -> dict:
    key = jax.random.key(seed)
    inputs = jax.random.normal(key, (1048576, 32), dtype=jnp.float32)
    return {"inputs": inputs}


def reference(inputs):
    # Training-mode path of HistogramLayer.call (the branch that actually computes):
    # 1) edges via linspace(min-0.5, max+0.5) per feature column
    # 2) per-column histogram of the batch (tfp.stats.histogram with
    #    extend_lower/upper_interval=True -> out-of-range clamped to edge bins)
    # 3) frequencies (initially zero) += batch histogram; returns updated frequencies
    num_bins = NUM_BINS
    n, f = inputs.shape
    mins = jnp.min(inputs, axis=0) - 0.5
    maxs = jnp.max(inputs, axis=0) + 0.5
    # edges are uniform per column, so bin lookup reduces to affine floor + clip
    width = (maxs - mins) / num_bins
    idx = jnp.clip(jnp.floor((inputs - mins) / width), 0, num_bins - 1).astype(jnp.int32)
    col = jnp.arange(f, dtype=jnp.int32)[None, :]
    flat = (idx * f + col).reshape(-1)
    counts = jnp.zeros((num_bins * f,), dtype=jnp.float32).at[flat].add(1.0)
    frequencies = counts.reshape(num_bins, f)  # zeros + this batch's histogram
    return frequencies

if __name__ == "__main__":
    import jax
    _d = setup_inputs()
    print(jax.jit(kernel)(*tuple(_d.values())))

</pallas_src>

<mosaic_0001>
#map = affine_map<(d0, d1) -> (0, 0)>
#map1 = affine_map<(d0, d1) -> (0)>
module attributes {stable_mosaic.version = 14 : i64} {
  func.func @_sc_hist_body(%arg0: i32, %arg1: i32, %arg2: memref<262144x128xf32, #tpu.memory_space<hbm>>, %arg3: memref<32xf32, #tpu.memory_space<hbm>>, %arg4: memref<32xf32, #tpu.memory_space<hbm>>, %arg5: memref<32x2048xf32, #tpu.memory_space<hbm>>, %arg6: memref<256x128xf32, #tpu.memory_space<vmem>>, %arg7: memref<256x128xf32, #tpu.memory_space<vmem>>, %arg8: memref<64xf32, #tpu.memory_space<vmem>>, %arg9: memref<2048xf32, #tpu.memory_space<vmem>>, %arg10: memref<2048xf32, #tpu.memory_space<vmem>>, %arg11: memref<2048xf32, #tpu.memory_space<vmem>>, %arg12: memref<2048xf32, #tpu.memory_space<vmem>>, %arg13: memref<!tpu.dma_semaphore, #tpu.memory_space<semaphore_mem>>, %arg14: memref<!tpu.dma_semaphore, #tpu.memory_space<semaphore_mem>>) attributes {dimension_semantics = [#tpu.dimension_semantics<core_parallel>, #tpu.dimension_semantics<subcore_parallel>], iteration_bounds = array<i64: 2, 16>, scalar_prefetch = 0 : i64, scratch_operands = 9 : i64, tpu.core_type = #tpu.core_type<sc_vector_subcore>, window_params = [{transform_indices = #map}, {transform_indices = #map1}, {transform_indices = #map1}, {transform_indices = #map}]} {
    %mul3A = arith.constant 2 : i32
    %mul3A_0 = arith.muli %arg1, %mul3A : i32
    %add3A = arith.addi %mul3A_0, %arg0 : i32
    %mul3A_1 = arith.constant 8192 : i32
    %mul3A_2 = arith.muli %add3A, %mul3A_1 : i32
    "tpu.region"() ({
      %run_scoped3A = tpu.sem_alloc : memref<!tpu.dma_semaphore, #tpu.memory_space<semaphore_mem>>
      %dma_start3A_51 = arith.constant 0 : i32
      %dma_start3A_52 = tpu.memref_slice %arg8[%dma_start3A_51] : memref<64xf32, #tpu.memory_space<vmem>> -> memref<32xf32, #tpu.memory_space<vmem>>
      %dma_start3A_53 = arith.constant 0 : i32
      %dma_start3A_54 = tpu.memref_slice %arg8[%dma_start3A_53] : memref<64xf32, #tpu.memory_space<vmem>> -> memref<32xf32, #tpu.memory_space<vmem>>
      tpu.enqueue_dma source(%arg3 : memref<32xf32, #tpu.memory_space<hbm>>) target(%dma_start3A_54 : memref<32xf32, #tpu.memory_space<vmem>>) target_semaphore(%run_scoped3A : memref<!tpu.dma_semaphore, #tpu.memory_space<semaphore_mem>>)
      %dma_wait3A = arith.constant 0 : i32
      %dma_wait3A_55 = tpu.memref_slice %arg8[%dma_wait3A] : memref<64xf32, #tpu.memory_space<vmem>> -> memref<32xf32, #tpu.memory_space<vmem>>
      %dma_wait3A_56 = arith.constant 0 : i32
      %dma_wait3A_57 = tpu.memref_slice %arg8[%dma_wait3A_56] : memref<64xf32, #tpu.memory_space<vmem>> -> memref<32xf32, #tpu.memory_space<vmem>>
      tpu.wait_dma2 semaphore(%run_scoped3A : memref<!tpu.dma_semaphore, #tpu.memory_space<semaphore_mem>>) src(%arg3 : memref<32xf32, #tpu.memory_space<hbm>>) dst(%dma_wait3A_57 : memref<32xf32, #tpu.memory_space<vmem>>)
      tpu.yield
    }) : () -> ()
    "tpu.region"() ({
      %run_scoped3A = tpu.sem_alloc : memref<!tpu.dma_semaphore, #tpu.memory_space<semaphore_mem>>
      %dma_start3A_51 = arith.constant 32 : i32
      %dma_start3A_52 = tpu.memref_slice %arg8[%dma_start3A_51] : memref<64xf32, #tpu.memory_space<vmem>> -> memref<32xf32, #tpu.memory_space<vmem>>
      %dma_start3A_53 = arith.constant 32 : i32
      %dma_start3A_54 = tpu.memref_slice %arg8[%dma_start3A_53] : memref<64xf32, #tpu.memory_space<vmem>> -> memref<32xf32, #tpu.memory_space<vmem>>
      tpu.enqueue_dma source(%arg4 : memref<32xf32, #tpu.memory_space<hbm>>) target(%dma_start3A_54 : memref<32xf32, #tpu.memory_space<vmem>>) target_semaphore(%run_scoped3A : memref<!tpu.dma_semaphore, #tpu.memory_space<semaphore_mem>>)
      %dma_wait3A = arith.constant 32 : i32
      %dma_wait3A_55 = tpu.memref_slice %arg8[%dma_wait3A] : memref<64xf32, #tpu.memory_space<vmem>> -> memref<32xf32, #tpu.memory_space<vmem>>
      %dma_wait3A_56 = arith.constant 32 : i32
      %dma_wait3A_57 = tpu.memref_slice %arg8[%dma_wait3A_56] : memref<64xf32, #tpu.memory_space<vmem>> -> memref<32xf32, #tpu.memory_space<vmem>>
      tpu.wait_dma2 semaphore(%run_scoped3A : memref<!tpu.dma_semaphore, #tpu.memory_space<semaphore_mem>>) src(%arg4 : memref<32xf32, #tpu.memory_space<hbm>>) dst(%dma_wait3A_57 : memref<32xf32, #tpu.memory_space<vmem>>)
      tpu.yield
    }) : () -> ()
    %get3A = arith.constant 0 : index
    %get3A_3 = tpu.vector_load %arg8[%get3A] {strides = array<i32>} : memref<64xf32, #tpu.memory_space<vmem>>, vector<16xf32>,
    %get3A_4 = arith.constant 16 : index
    %get3A_5 = tpu.vector_load %arg8[%get3A_4] {strides = array<i32>} : memref<64xf32, #tpu.memory_space<vmem>>, vector<16xf32>,
    %get3A_6 = arith.constant 32 : index
    %get3A_7 = tpu.vector_load %arg8[%get3A_6] {strides = array<i32>} : memref<64xf32, #tpu.memory_space<vmem>>, vector<16xf32>,
    %get3A_8 = arith.constant 48 : index
    %get3A_9 = tpu.vector_load %arg8[%get3A_8] {strides = array<i32>} : memref<64xf32, #tpu.memory_space<vmem>>, vector<16xf32>,
    %iota3A = tpu.iota {dimensions = array<i32: 0>} : vector<16xi32>
    %mul3A_10 = arith.constant 64 : i32
    %mul3A_11 = vector.broadcast %mul3A_10 : i32 to vector<16xi32>
    %mul3A_12 = arith.muli %iota3A, %mul3A_11 : vector<16xi32>
    %add3A_13 = arith.constant 16 : i32
    %add3A_14 = vector.broadcast %add3A_13 : i32 to vector<16xi32>
    %add3A_15 = arith.addi %iota3A, %add3A_14 : vector<16xi32>
    %mul3A_16 = arith.constant 64 : i32
    %mul3A_17 = vector.broadcast %mul3A_16 : i32 to vector<16xi32>
    %mul3A_18 = arith.muli %add3A_15, %mul3A_17 : vector<16xi32>
    %add3A_19 = arith.constant 63 : i32
    %add3A_20 = vector.broadcast %add3A_19 : i32 to vector<16xi32>
    %add3A_21 = arith.addi %mul3A_12, %add3A_20 : vector<16xi32>
    %add3A_22 = arith.constant 63 : i32
    %add3A_23 = vector.broadcast %add3A_22 : i32 to vector<16xi32>
    %add3A_24 = arith.addi %mul3A_18, %add3A_23 : vector<16xi32>
    %broadcast_in_dim3A = arith.constant 1.000000e+00 : f32
    %broadcast_in_dim3A_25 = vector.broadcast %broadcast_in_dim3A : f32 to vector<16xf32>
    %broadcast_in_dim3A_26 = arith.constant 0.000000e+00 : f32
    %broadcast_in_dim3A_27 = vector.broadcast %broadcast_in_dim3A_26 : f32 to vector<16xf32>
    %scan3A = arith.constant 0 : i32
    %scan3A_28 = arith.constant 0 : i32
    %scan3A_29 = arith.constant 128 : i32
    %scan3A_30 = arith.addi %scan3A_28, %scan3A_29 : i32
    %scan3A_31 = arith.constant 1 : i32
    %scan3A_32 = scf.for %scan3A_51 = %scan3A_28 to %scan3A_30 step %scan3A_31 iter_args(%scan3A_52 = %scan3A) -> (i32)  : i32 {
      %mul3A_53 = arith.constant 16 : i32
      %mul3A_54 = arith.muli %scan3A_51, %mul3A_53 : i32
      %swap3A = arith.index_cast %mul3A_54 : i32 to index
      %swap3A_55 = tpu.vector_load %arg9[%swap3A] {strides = array<i32>} : memref<2048xf32, #tpu.memory_space<vmem>>, vector<16xf32>,
      tpu.vector_store %arg9[%swap3A], %broadcast_in_dim3A_27 {strides = array<i32>} : memref<2048xf32, #tpu.memory_space<vmem>>, vector<16xf32>,
      %mul3A_56 = arith.constant 16 : i32
      %mul3A_57 = arith.muli %scan3A_51, %mul3A_56 : i32
      %swap3A_58 = arith.index_cast %mul3A_57 : i32 to index
      %swap3A_59 = tpu.vector_load %arg10[%swap3A_58] {strides = array<i32>} : memref<2048xf32, #tpu.memory_space<vmem>>, vector<16xf32>,
      tpu.vector_store %arg10[%swap3A_58], %broadcast_in_dim3A_27 {strides = array<i32>} : memref<2048xf32, #tpu.memory_space<vmem>>, vector<16xf32>,
      %mul3A_60 = arith.constant 16 : i32
      %mul3A_61 = arith.muli %scan3A_51, %mul3A_60 : i32
      %swap3A_62 = arith.index_cast %mul3A_61 : i32 to index
      %swap3A_63 = tpu.vector_load %arg11[%swap3A_62] {strides = array<i32>} : memref<2048xf32, #tpu.memory_space<vmem>>, vector<16xf32>,
      tpu.vector_store %arg11[%swap3A_62], %broadcast_in_dim3A_27 {strides = array<i32>} : memref<2048xf32, #tpu.memory_space<vmem>>, vector<16xf32>,
      %mul3A_64 = arith.constant 16 : i32
      %mul3A_65 = arith.muli %scan3A_51, %mul3A_64 : i32
      %swap3A_66 = arith.index_cast %mul3A_65 : i32 to index
      %swap3A_67 = tpu.vector_load %arg12[%swap3A_66] {strides = array<i32>} : memref<2048xf32, #tpu.memory_space<vmem>>, vector<16xf32>,
      tpu.vector_store %arg12[%swap3A_66], %broadcast_in_dim3A_27 {strides = array<i32>} : memref<2048xf32, #tpu.memory_space<vmem>>, vector<16xf32>,
      %scan3A_68 = arith.constant 0 : i32
      scf.yield %scan3A_68 : i32
    }
    %scan3A_33 = arith.constant 128 : i32
    %add3A_34 = arith.constant 0 : i32
    %add3A_35 = arith.addi %mul3A_2, %add3A_34 : i32
    %dma_start3A = arith.constant 0 : i32
    %dma_start3A_36 = tpu.memref_slice %arg2[%add3A_35, %dma_start3A] : memref<262144x128xf32, #tpu.memory_space<hbm>> -> memref<256x128xf32, #tpu.memory_space<hbm>>
    %dma_start3A_37 = arith.constant 0 : i32
    %dma_start3A_38 = tpu.memref_slice %arg2[%add3A_35, %dma_start3A_37] : memref<262144x128xf32, #tpu.memory_space<hbm>> -> memref<256x128xf32, #tpu.memory_space<hbm>>
    tpu.enqueue_dma source(%dma_start3A_38 : memref<256x128xf32, #tpu.memory_space<hbm>>) target(%arg6 : memref<256x128xf32, #tpu.memory_space<vmem>>) target_semaphore(%arg13 : memref<!tpu.dma_semaphore, #tpu.memory_space<semaphore_mem>>)
    %scan3A_39 = arith.constant 0 : i32
    %scan3A_40 = arith.constant 16 : i32
    %scan3A_41 = arith.addi %scan3A_39, %scan3A_40 : i32
    %scan3A_42 = arith.constant 1 : i32
    scf.for %scan3A_51 = %scan3A_39 to %scan3A_41 step %scan3A_42  : i32 {
      %mul3A_52 = arith.constant 2 : i32
      %mul3A_53 = arith.muli %scan3A_51, %mul3A_52 : i32
      %add3A_54 = arith.constant 0 : i32
      %add3A_55 = arith.addi %add3A_54, %mul3A_53 : i32
      %dma_wait3A = arith.constant 0 : i32
      %dma_wait3A_56 = arith.constant 0 : i32
      %dma_wait3A_57 = tpu.memref_slice %arg2[%dma_wait3A, %dma_wait3A_56] : memref<262144x128xf32, #tpu.memory_space<hbm>> -> memref<256x128xf32, #tpu.memory_space<hbm>>
      %dma_wait3A_58 = arith.constant 0 : i32
      %dma_wait3A_59 = arith.constant 0 : i32
      %dma_wait3A_60 = tpu.memref_slice %arg2[%dma_wait3A_58, %dma_wait3A_59] : memref<262144x128xf32, #tpu.memory_space<hbm>> -> memref<256x128xf32, #tpu.memory_space<hbm>>
      tpu.wait_dma2 semaphore(%arg13 : memref<!tpu.dma_semaphore, #tpu.memory_space<semaphore_mem>>) src(%dma_wait3A_60 : memref<256x128xf32, #tpu.memory_space<hbm>>) dst(%arg6 : memref<256x128xf32, #tpu.memory_space<vmem>>)
      %add3A_61 = arith.constant 1 : i32
      %add3A_62 = arith.addi %add3A_55, %add3A_61 : i32
      %mul3A_63 = arith.constant 256 : i32
      %mul3A_64 = arith.muli %add3A_62, %mul3A_63 : i32
      %add3A_65 = arith.addi %mul3A_2, %mul3A_64 : i32
      %dma_start3A_66 = arith.constant 0 : i32
      %dma_start3A_67 = tpu.memref_slice %arg2[%add3A_65, %dma_start3A_66] : memref<262144x128xf32, #tpu.memory_space<hbm>> -> memref<256x128xf32, #tpu.memory_space<hbm>>
      %dma_start3A_68 = arith.constant 0 : i32
      %dma_start3A_69 = tpu.memref_slice %arg2[%add3A_65, %dma_start3A_68] : memref<262144x128xf32, #tpu.memory_space<hbm>> -> memref<256x128xf32, #tpu.memory_space<hbm>>
      tpu.enqueue_dma source(%dma_start3A_69 : memref<256x128xf32, #tpu.memory_space<hbm>>) target(%arg7 : memref<256x128xf32, #tpu.memory_space<vmem>>) target_semaphore(%arg14 : memref<!tpu.dma_semaphore, #tpu.memory_space<semaphore_mem>>)
      %parallel_loop3A = arith.constant 0 : i32
      %parallel_loop3A_70 = arith.constant 256 : i32
      %parallel_loop3A_71 = arith.constant 1 : i32
      scf.for %parallel_loop3A_85 = %parallel_loop3A to %parallel_loop3A_70 step %parallel_loop3A_71  : i32 {
        %parallel_loop3A_86 = arith.index_cast %parallel_loop3A_85 : i32 to index
        %parallel_loop3A_87 = arith.constant 0 : index
        %parallel_loop3A_88 = tpu.vector_load %arg6[%parallel_loop3A_86, %parallel_loop3A_87] {strides = array<i32>} : memref<256x128xf32, #tpu.memory_space<vmem>>, vector<16xf32>,
        %parallel_loop3A_89 = arith.mulf %parallel_loop3A_88, %get3A_3 : vector<16xf32>
        %parallel_loop3A_90 = arith.addf %parallel_loop3A_89, %get3A_7 : vector<16xf32>
        %parallel_loop3A_91 = arith.fptosi %parallel_loop3A_90 : vector<16xf32> to vector<16xi32>
        %parallel_loop3A_92 = arith.maxsi %parallel_loop3A_91, %mul3A_12 : vector<16xi32>
        %parallel_loop3A_93 = arith.minsi %parallel_loop3A_92, %add3A_21 : vector<16xi32>
        tpu.vector_store_idx %arg9[%parallel_loop3A_93], %broadcast_in_dim3A_25 {add = true} : memref<2048xf32, #tpu.memory_space<vmem>>[vector<16xi32>], vector<16xf32>,
        %parallel_loop3A_94 = arith.index_cast %parallel_loop3A_85 : i32 to index
        %parallel_loop3A_95 = arith.constant 16 : index
        %parallel_loop3A_96 = tpu.vector_load %arg6[%parallel_loop3A_94, %parallel_loop3A_95] {strides = array<i32>} : memref<256x128xf32, #tpu.memory_space<vmem>>, vector<16xf32>,
        %parallel_loop3A_97 = arith.mulf %parallel_loop3A_96, %get3A_5 : vector<16xf32>
        %parallel_loop3A_98 = arith.addf %parallel_loop3A_97, %get3A_9 : vector<16xf32>
        %parallel_loop3A_99 = arith.fptosi %parallel_loop3A_98 : vector<16xf32> to vector<16xi32>
        %parallel_loop3A_100 = arith.maxsi %parallel_loop3A_99, %mul3A_18 : vector<16xi32>
        %parallel_loop3A_101 = arith.minsi %parallel_loop3A_100, %add3A_24 : vector<16xi32>
        tpu.vector_store_idx %arg10[%parallel_loop3A_101], %broadcast_in_dim3A_25 {add = true} : memref<2048xf32, #tpu.memory_space<vmem>>[vector<16xi32>], vector<16xf32>,
        %parallel_loop3A_102 = arith.index_cast %parallel_loop3A_85 : i32 to index
        %parallel_loop3A_103 = arith.constant 32 : index
        %parallel_loop3A_104 = tpu.vector_load %arg6[%parallel_loop3A_102, %parallel_loop3A_103] {strides = array<i32>} : memref<256x128xf32, #tpu.memory_space<vmem>>, vector<16xf32>,
        %parallel_loop3A_105 = arith.mulf %parallel_loop3A_104, %get3A_3 : vector<16xf32>
        %parallel_loop3A_106 = arith.addf %parallel_loop3A_105, %get3A_7 : vector<16xf32>
        %parallel_loop3A_107 = arith.fptosi %parallel_loop3A_106 : vector<16xf32> to vector<16xi32>
        %parallel_loop3A_108 = arith.maxsi %parallel_loop3A_107, %mul3A_12 : vector<16xi32>
        %parallel_loop3A_109 = arith.minsi %parallel_loop3A_108, %add3A_21 : vector<16xi32>
        tpu.vector_store_idx %arg11[%parallel_loop3A_109], %broadcast_in_dim3A_25 {add = true} : memref<2048xf32, #tpu.memory_space<vmem>>[vector<16xi32>], vector<16xf32>,
        %parallel_loop3A_110 = arith.index_cast %parallel_loop3A_85 : i32 to index
        %parallel_loop3A_111 = arith.constant 48 : index
        %parallel_loop3A_112 = tpu.vector_load %arg6[%parallel_loop3A_110, %parallel_loop3A_111] {strides = array<i32>} : memref<256x128xf32, #tpu.memory_space<vmem>>, vector<16xf32>,
        %parallel_loop3A_113 = arith.mulf %parallel_loop3A_112, %get3A_5 : vector<16xf32>
        %parallel_loop3A_114 = arith.addf %parallel_loop3A_113, %get3A_9 : vector<16xf32>
        %parallel_loop3A_115 = arith.fptosi %parallel_loop3A_114 : vector<16xf32> to vector<16xi32>
        %parallel_loop3A_116 = arith.maxsi %parallel_loop3A_115, %mul3A_18 : vector<16xi32>
        %parallel_loop3A_117 = arith.minsi %parallel_loop3A_116, %add3A_24 : vector<16xi32>
        tpu.vector_store_idx %arg12[%parallel_loop3A_117], %broadcast_in_dim3A_25 {add = true} : memref<2048xf32, #tpu.memory_space<vmem>>[vector<16xi32>], vector<16xf32>,
        %parallel_loop3A_118 = arith.index_cast %parallel_loop3A_85 : i32 to index
        %parallel_loop3A_119 = arith.constant 64 : index
        %parallel_loop3A_120 = tpu.vector_load %arg6[%parallel_loop3A_118, %parallel_loop3A_119] {strides = array<i32>} : memref<256x128xf32, #tpu.memory_space<vmem>>, vector<16xf32>,
        %parallel_loop3A_121 = arith.mulf %parallel_loop3A_120, %get3A_3 : vector<16xf32>
        %parallel_loop3A_122 = arith.addf %parallel_loop3A_121, %get3A_7 : vector<16xf32>
        %parallel_loop3A_123 = arith.fptosi %parallel_loop3A_122 : vector<16xf32> to vector<16xi32>
        %parallel_loop3A_124 = arith.maxsi %parallel_loop3A_123, %mul3A_12 : vector<16xi32>
        %parallel_loop3A_125 = arith.minsi %parallel_loop3A_124, %add3A_21 : vector<16xi32>
        tpu.vector_store_idx %arg9[%parallel_loop3A_125], %broadcast_in_dim3A_25 {add = true} : memref<2048xf32, #tpu.memory_space<vmem>>[vector<16xi32>], vector<16xf32>,
        %parallel_loop3A_126 = arith.index_cast %parallel_loop3A_85 : i32 to index
        %parallel_loop3A_127 = arith.constant 80 : index
        %parallel_loop3A_128 = tpu.vector_load %arg6[%parallel_loop3A_126, %parallel_loop3A_127] {strides = array<i32>} : memref<256x128xf32, #tpu.memory_space<vmem>>, vector<16xf32>,
        %parallel_loop3A_129 = arith.mulf %parallel_loop3A_128, %get3A_5 : vector<16xf32>
        %parallel_loop3A_130 = arith.addf %parallel_loop3A_129, %get3A_9 : vector<16xf32>
        %parallel_loop3A_131 = arith.fptosi %parallel_loop3A_130 : vector<16xf32> to vector<16xi32>
        %parallel_loop3A_132 = arith.maxsi %parallel_loop3A_131, %mul3A_18 : vector<16xi32>
        %parallel_loop3A_133 = arith.minsi %parallel_loop3A_132, %add3A_24 : vector<16xi32>
        tpu.vector_store_idx %arg10[%parallel_loop3A_133], %broadcast_in_dim3A_25 {add = true} : memref<2048xf32, #tpu.memory_space<vmem>>[vector<16xi32>], vector<16xf32>,
        %parallel_loop3A_134 = arith.index_cast %parallel_loop3A_85 : i32 to index
        %parallel_loop3A_135 = arith.constant 96 : index
        %parallel_loop3A_136 = tpu.vector_load %arg6[%parallel_loop3A_134, %parallel_loop3A_135] {strides = array<i32>} : memref<256x128xf32, #tpu.memory_space<vmem>>, vector<16xf32>,
        %parallel_loop3A_137 = arith.mulf %parallel_loop3A_136, %get3A_3 : vector<16xf32>
        %parallel_loop3A_138 = arith.addf %parallel_loop3A_137, %get3A_7 : vector<16xf32>
        %parallel_loop3A_139 = arith.fptosi %parallel_loop3A_138 : vector<16xf32> to vector<16xi32>
        %parallel_loop3A_140 = arith.maxsi %parallel_loop3A_139, %mul3A_12 : vector<16xi32>
        %parallel_loop3A_141 = arith.minsi %parallel_loop3A_140, %add3A_21 : vector<16xi32>
        tpu.vector_store_idx %arg11[%parallel_loop3A_141], %broadcast_in_dim3A_25 {add = true} : memref<2048xf32, #tpu.memory_space<vmem>>[vector<16xi32>], vector<16xf32>,
        %parallel_loop3A_142 = arith.index_cast %parallel_loop3A_85 : i32 to index
        %parallel_loop3A_143 = arith.constant 112 : index
        %parallel_loop3A_144 = tpu.vector_load %arg6[%parallel_loop3A_142, %parallel_loop3A_143] {strides = array<i32>} : memref<256x128xf32, #tpu.memory_space<vmem>>, vector<16xf32>,
        %parallel_loop3A_145 = arith.mulf %parallel_loop3A_144, %get3A_5 : vector<16xf32>
        %parallel_loop3A_146 = arith.addf %parallel_loop3A_145, %get3A_9 : vector<16xf32>
        %parallel_loop3A_147 = arith.fptosi %parallel_loop3A_146 : vector<16xf32> to vector<16xi32>
        %parallel_loop3A_148 = arith.maxsi %parallel_loop3A_147, %mul3A_18 : vector<16xi32>
        %parallel_loop3A_149 = arith.minsi %parallel_loop3A_148, %add3A_24 : vector<16xi32>
        tpu.vector_store_idx %arg12[%parallel_loop3A_149], %broadcast_in_dim3A_25 {add = true} : memref<2048xf32, #tpu.memory_space<vmem>>[vector<16xi32>], vector<16xf32>,
      } {sc.loop_unroll_factor = 2 : i64, sc.parallel_access}
      %dma_wait3A_72 = arith.constant 0 : i32
      %dma_wait3A_73 = arith.constant 0 : i32
      %dma_wait3A_74 = tpu.memref_slice %arg2[%dma_wait3A_72, %dma_wait3A_73] : memref<262144x128xf32, #tpu.memory_space<hbm>> -> memref<256x128xf32, #tpu.memory_space<hbm>>
      %dma_wait3A_75 = arith.constant 0 : i32
      %dma_wait3A_76 = arith.constant 0 : i32
      %dma_wait3A_77 = tpu.memref_slice %arg2[%dma_wait3A_75, %dma_wait3A_76] : memref<262144x128xf32, #tpu.memory_space<hbm>> -> memref<256x128xf32, #tpu.memory_space<hbm>>
      tpu.wait_dma2 semaphore(%arg14 : memref<!tpu.dma_semaphore, #tpu.memory_space<semaphore_mem>>) src(%dma_wait3A_77 : memref<256x128xf32, #tpu.memory_space<hbm>>) dst(%arg7 : memref<256x128xf32, #tpu.memory_space<vmem>>)
      %add3A_78 = arith.constant 2 : i32
      %add3A_79 = arith.addi %add3A_55, %add3A_78 : i32
      %lt3A = arith.constant 32 : i32
      %lt3A_80 = arith.cmpi slt, %add3A_79, %lt3A : i32
      %convert_element_type3A = arith.extui %lt3A_80 : i1 to i32
      %cond3A = arith.constant 0 : i32
      %cond3A_81 = arith.cmpi ne, %convert_element_type3A, %cond3A : i32
      scf.if %cond3A_81 {
        %add3A_85 = arith.constant 2 : i32
        %add3A_86 = arith.addi %add3A_55, %add3A_85 : i32
        %mul3A_87 = arith.constant 256 : i32
        %mul3A_88 = arith.muli %add3A_86, %mul3A_87 : i32
        %add3A_89 = arith.addi %mul3A_2, %mul3A_88 : i32
        %dma_start3A_90 = arith.constant 0 : i32
        %dma_start3A_91 = tpu.memref_slice %arg2[%add3A_89, %dma_start3A_90] : memref<262144x128xf32, #tpu.memory_space<hbm>> -> memref<256x128xf32, #tpu.memory_space<hbm>>
        %dma_start3A_92 = arith.constant 0 : i32
        %dma_start3A_93 = tpu.memref_slice %arg2[%add3A_89, %dma_start3A_92] : memref<262144x128xf32, #tpu.memory_space<hbm>> -> memref<256x128xf32, #tpu.memory_space<hbm>>
        tpu.enqueue_dma source(%dma_start3A_93 : memref<256x128xf32, #tpu.memory_space<hbm>>) target(%arg6 : memref<256x128xf32, #tpu.memory_space<vmem>>) target_semaphore(%arg13 : memref<!tpu.dma_semaphore, #tpu.memory_space<semaphore_mem>>)
      } else {
      }
      %parallel_loop3A_82 = arith.constant 0 : i32
      %parallel_loop3A_83 = arith.constant 256 : i32
      %parallel_loop3A_84 = arith.constant 1 : i32
      scf.for %parallel_loop3A_85 = %parallel_loop3A_82 to %parallel_loop3A_83 step %parallel_loop3A_84  : i32 {
        %parallel_loop3A_86 = arith.index_cast %parallel_loop3A_85 : i32 to index
        %parallel_loop3A_87 = arith.constant 0 : index
        %parallel_loop3A_88 = tpu.vector_load %arg7[%parallel_loop3A_86, %parallel_loop3A_87] {strides = array<i32>} : memref<256x128xf32, #tpu.memory_space<vmem>>, vector<16xf32>,
        %parallel_loop3A_89 = arith.mulf %parallel_loop3A_88, %get3A_3 : vector<16xf32>
        %parallel_loop3A_90 = arith.addf %parallel_loop3A_89, %get3A_7 : vector<16xf32>
        %parallel_loop3A_91 = arith.fptosi %parallel_loop3A_90 : vector<16xf32> to vector<16xi32>
        %parallel_loop3A_92 = arith.maxsi %parallel_loop3A_91, %mul3A_12 : vector<16xi32>
        %parallel_loop3A_93 = arith.minsi %parallel_loop3A_92, %add3A_21 : vector<16xi32>
        tpu.vector_store_idx %arg9[%parallel_loop3A_93], %broadcast_in_dim3A_25 {add = true} : memref<2048xf32, #tpu.memory_space<vmem>>[vector<16xi32>], vector<16xf32>,
        %parallel_loop3A_94 = arith.index_cast %parallel_loop3A_85 : i32 to index
        %parallel_loop3A_95 = arith.constant 16 : index
        %parallel_loop3A_96 = tpu.vector_load %arg7[%parallel_loop3A_94, %parallel_loop3A_95] {strides = array<i32>} : memref<256x128xf32, #tpu.memory_space<vmem>>, vector<16xf32>,
        %parallel_loop3A_97 = arith.mulf %parallel_loop3A_96, %get3A_5 : vector<16xf32>
        %parallel_loop3A_98 = arith.addf %parallel_loop3A_97, %get3A_9 : vector<16xf32>
        %parallel_loop3A_99 = arith.fptosi %parallel_loop3A_98 : vector<16xf32> to vector<16xi32>
        %parallel_loop3A_100 = arith.maxsi %parallel_loop3A_99, %mul3A_18 : vector<16xi32>
        %parallel_loop3A_101 = arith.minsi %parallel_loop3A_100, %add3A_24 : vector<16xi32>
        tpu.vector_store_idx %arg10[%parallel_loop3A_101], %broadcast_in_dim3A_25 {add = true} : memref<2048xf32, #tpu.memory_space<vmem>>[vector<16xi32>], vector<16xf32>,
        %parallel_loop3A_102 = arith.index_cast %parallel_loop3A_85 : i32 to index
        %parallel_loop3A_103 = arith.constant 32 : index
        %parallel_loop3A_104 = tpu.vector_load %arg7[%parallel_loop3A_102, %parallel_loop3A_103] {strides = array<i32>} : memref<256x128xf32, #tpu.memory_space<vmem>>, vector<16xf32>,
        %parallel_loop3A_105 = arith.mulf %parallel_loop3A_104, %get3A_3 : vector<16xf32>
        %parallel_loop3A_106 = arith.addf %parallel_loop3A_105, %get3A_7 : vector<16xf32>
        %parallel_loop3A_107 = arith.fptosi %parallel_loop3A_106 : vector<16xf32> to vector<16xi32>
        %parallel_loop3A_108 = arith.maxsi %parallel_loop3A_107, %mul3A_12 : vector<16xi32>
        %parallel_loop3A_109 = arith.minsi %parallel_loop3A_108, %add3A_21 : vector<16xi32>
        tpu.vector_store_idx %arg11[%parallel_loop3A_109], %broadcast_in_dim3A_25 {add = true} : memref<2048xf32, #tpu.memory_space<vmem>>[vector<16xi32>], vector<16xf32>,
        %parallel_loop3A_110 = arith.index_cast %parallel_loop3A_85 : i32 to index
        %parallel_loop3A_111 = arith.constant 48 : index
        %parallel_loop3A_112 = tpu.vector_load %arg7[%parallel_loop3A_110, %parallel_loop3A_111] {strides = array<i32>} : memref<256x128xf32, #tpu.memory_space<vmem>>, vector<16xf32>,
        %parallel_loop3A_113 = arith.mulf %parallel_loop3A_112, %get3A_5 : vector<16xf32>
        %parallel_loop3A_114 = arith.addf %parallel_loop3A_113, %get3A_9 : vector<16xf32>
        %parallel_loop3A_115 = arith.fptosi %parallel_loop3A_114 : vector<16xf32> to vector<16xi32>
        %parallel_loop3A_116 = arith.maxsi %parallel_loop3A_115, %mul3A_18 : vector<16xi32>
        %parallel_loop3A_117 = arith.minsi %parallel_loop3A_116, %add3A_24 : vector<16xi32>
        tpu.vector_store_idx %arg12[%parallel_loop3A_117], %broadcast_in_dim3A_25 {add = true} : memref<2048xf32, #tpu.memory_space<vmem>>[vector<16xi32>], vector<16xf32>,
        %parallel_loop3A_118 = arith.index_cast %parallel_loop3A_85 : i32 to index
        %parallel_loop3A_119 = arith.constant 64 : index
        %parallel_loop3A_120 = tpu.vector_load %arg7[%parallel_loop3A_118, %parallel_loop3A_119] {strides = array<i32>} : memref<256x128xf32, #tpu.memory_space<vmem>>, vector<16xf32>,
        %parallel_loop3A_121 = arith.mulf %parallel_loop3A_120, %get3A_3 : vector<16xf32>
        %parallel_loop3A_122 = arith.addf %parallel_loop3A_121, %get3A_7 : vector<16xf32>
        %parallel_loop3A_123 = arith.fptosi %parallel_loop3A_122 : vector<16xf32> to vector<16xi32>
        %parallel_loop3A_124 = arith.maxsi %parallel_loop3A_123, %mul3A_12 : vector<16xi32>
        %parallel_loop3A_125 = arith.minsi %parallel_loop3A_124, %add3A_21 : vector<16xi32>
        tpu.vector_store_idx %arg9[%parallel_loop3A_125], %broadcast_in_dim3A_25 {add = true} : memref<2048xf32, #tpu.memory_space<vmem>>[vector<16xi32>], vector<16xf32>,
        %parallel_loop3A_126 = arith.index_cast %parallel_loop3A_85 : i32 to index
        %parallel_loop3A_127 = arith.constant 80 : index
        %parallel_loop3A_128 = tpu.vector_load %arg7[%parallel_loop3A_126, %parallel_loop3A_127] {strides = array<i32>} : memref<256x128xf32, #tpu.memory_space<vmem>>, vector<16xf32>,
        %parallel_loop3A_129 = arith.mulf %parallel_loop3A_128, %get3A_5 : vector<16xf32>
        %parallel_loop3A_130 = arith.addf %parallel_loop3A_129, %get3A_9 : vector<16xf32>
        %parallel_loop3A_131 = arith.fptosi %parallel_loop3A_130 : vector<16xf32> to vector<16xi32>
        %parallel_loop3A_132 = arith.maxsi %parallel_loop3A_131, %mul3A_18 : vector<16xi32>
        %parallel_loop3A_133 = arith.minsi %parallel_loop3A_132, %add3A_24 : vector<16xi32>
        tpu.vector_store_idx %arg10[%parallel_loop3A_133], %broadcast_in_dim3A_25 {add = true} : memref<2048xf32, #tpu.memory_space<vmem>>[vector<16xi32>], vector<16xf32>,
        %parallel_loop3A_134 = arith.index_cast %parallel_loop3A_85 : i32 to index
        %parallel_loop3A_135 = arith.constant 96 : index
        %parallel_loop3A_136 = tpu.vector_load %arg7[%parallel_loop3A_134, %parallel_loop3A_135] {strides = array<i32>} : memref<256x128xf32, #tpu.memory_space<vmem>>, vector<16xf32>,
        %parallel_loop3A_137 = arith.mulf %parallel_loop3A_136, %get3A_3 : vector<16xf32>
        %parallel_loop3A_138 = arith.addf %parallel_loop3A_137, %get3A_7 : vector<16xf32>
        %parallel_loop3A_139 = arith.fptosi %parallel_loop3A_138 : vector<16xf32> to vector<16xi32>
        %parallel_loop3A_140 = arith.maxsi %parallel_loop3A_139, %mul3A_12 : vector<16xi32>
        %parallel_loop3A_141 = arith.minsi %parallel_loop3A_140, %add3A_21 : vector<16xi32>
        tpu.vector_store_idx %arg11[%parallel_loop3A_141], %broadcast_in_dim3A_25 {add = true} : memref<2048xf32, #tpu.memory_space<vmem>>[vector<16xi32>], vector<16xf32>,
        %parallel_loop3A_142 = arith.index_cast %parallel_loop3A_85 : i32 to index
        %parallel_loop3A_143 = arith.constant 112 : index
        %parallel_loop3A_144 = tpu.vector_load %arg7[%parallel_loop3A_142, %parallel_loop3A_143] {strides = array<i32>} : memref<256x128xf32, #tpu.memory_space<vmem>>, vector<16xf32>,
        %parallel_loop3A_145 = arith.mulf %parallel_loop3A_144, %get3A_5 : vector<16xf32>
        %parallel_loop3A_146 = arith.addf %parallel_loop3A_145, %get3A_9 : vector<16xf32>
        %parallel_loop3A_147 = arith.fptosi %parallel_loop3A_146 : vector<16xf32> to vector<16xi32>
        %parallel_loop3A_148 = arith.maxsi %parallel_loop3A_147, %mul3A_18 : vector<16xi32>
        %parallel_loop3A_149 = arith.minsi %parallel_loop3A_148, %add3A_24 : vector<16xi32>
        tpu.vector_store_idx %arg12[%parallel_loop3A_149], %broadcast_in_dim3A_25 {add = true} : memref<2048xf32, #tpu.memory_space<vmem>>[vector<16xi32>], vector<16xf32>,
      } {sc.loop_unroll_factor = 2 : i64, sc.parallel_access}
    }
    %scan3A_43 = arith.constant 16 : i32
    %scan3A_44 = arith.constant 0 : i32
    %scan3A_45 = arith.constant 0 : i32
    %scan3A_46 = arith.constant 128 : i32
    %scan3A_47 = arith.addi %scan3A_45, %scan3A_46 : i32
    %scan3A_48 = arith.constant 1 : i32
    %scan3A_49 = scf.for %scan3A_51 = %scan3A_45 to %scan3A_47 step %scan3A_48 iter_args(%scan3A_52 = %scan3A_44) -> (i32)  : i32 {
      %mul3A_53 = arith.constant 16 : i32
      %mul3A_54 = arith.muli %scan3A_51, %mul3A_53 : i32
      %get3A_55 = arith.index_cast %mul3A_54 : i32 to index
      %get3A_56 = tpu.vector_load %arg9[%get3A_55] {strides = array<i32>} : memref<2048xf32, #tpu.memory_space<vmem>>, vector<16xf32>,
      %get3A_57 = arith.index_cast %mul3A_54 : i32 to index
      %get3A_58 = tpu.vector_load %arg10[%get3A_57] {strides = array<i32>} : memref<2048xf32, #tpu.memory_space<vmem>>, vector<16xf32>,
      %add3A_59 = arith.addf %get3A_56, %get3A_58 : vector<16xf32>
      %get3A_60 = arith.index_cast %mul3A_54 : i32 to index
      %get3A_61 = tpu.vector_load %arg11[%get3A_60] {strides = array<i32>} : memref<2048xf32, #tpu.memory_space<vmem>>, vector<16xf32>,
      %get3A_62 = arith.index_cast %mul3A_54 : i32 to index
      %get3A_63 = tpu.vector_load %arg12[%get3A_62] {strides = array<i32>} : memref<2048xf32, #tpu.memory_space<vmem>>, vector<16xf32>,
      %add3A_64 = arith.addf %get3A_61, %get3A_63 : vector<16xf32>
      %add3A_65 = arith.addf %add3A_59, %add3A_64 : vector<16xf32>
      %swap3A = arith.index_cast %mul3A_54 : i32 to index
      %swap3A_66 = tpu.vector_load %arg9[%swap3A] {strides = array<i32>} : memref<2048xf32, #tpu.memory_space<vmem>>, vector<16xf32>,
      tpu.vector_store %arg9[%swap3A], %add3A_65 {strides = array<i32>} : memref<2048xf32, #tpu.memory_space<vmem>>, vector<16xf32>,
      %scan3A_67 = arith.constant 0 : i32
      scf.yield %scan3A_67 : i32
    }
    %scan3A_50 = arith.constant 128 : i32
    "tpu.region"() ({
      %run_scoped3A = tpu.sem_alloc : memref<!tpu.dma_semaphore, #tpu.memory_space<semaphore_mem>>
      %dma_start3A_51 = arith.constant 0 : i32
      %dma_start3A_52 = tpu.memref_slice %arg5[%add3A, %dma_start3A_51] : memref<32x2048xf32, #tpu.memory_space<hbm>> -> memref<1x2048xf32, #tpu.memory_space<hbm>>
      %dma_start3A_53 = tpu.memref_squeeze %dma_start3A_52 : memref<1x2048xf32, #tpu.memory_space<hbm>> -> memref<2048xf32, #tpu.memory_space<hbm>>
      %dma_start3A_54 = arith.constant 0 : i32
      %dma_start3A_55 = tpu.memref_slice %arg5[%add3A, %dma_start3A_54] : memref<32x2048xf32, #tpu.memory_space<hbm>> -> memref<1x2048xf32, #tpu.memory_space<hbm>>
      %dma_start3A_56 = tpu.memref_squeeze %dma_start3A_55 : memref<1x2048xf32, #tpu.memory_space<hbm>> -> memref<2048xf32, #tpu.memory_space<hbm>>
      tpu.enqueue_dma source(%arg9 : memref<2048xf32, #tpu.memory_space<vmem>>) target(%dma_start3A_56 : memref<2048xf32, #tpu.memory_space<hbm>>) target_semaphore(%run_scoped3A : memref<!tpu.dma_semaphore, #tpu.memory_space<semaphore_mem>>)
      %dma_wait3A = arith.constant 0 : i32
      %dma_wait3A_57 = tpu.memref_slice %arg5[%add3A, %dma_wait3A] : memref<32x2048xf32, #tpu.memory_space<hbm>> -> memref<1x2048xf32, #tpu.memory_space<hbm>>
      %dma_wait3A_58 = tpu.memref_squeeze %dma_wait3A_57 : memref<1x2048xf32, #tpu.memory_space<hbm>> -> memref<2048xf32, #tpu.memory_space<hbm>>
      %dma_wait3A_59 = arith.constant 0 : i32
      %dma_wait3A_60 = tpu.memref_slice %arg5[%add3A, %dma_wait3A_59] : memref<32x2048xf32, #tpu.memory_space<hbm>> -> memref<1x2048xf32, #tpu.memory_space<hbm>>
      %dma_wait3A_61 = tpu.memref_squeeze %dma_wait3A_60 : memref<1x2048xf32, #tpu.memory_space<hbm>> -> memref<2048xf32, #tpu.memory_space<hbm>>
      tpu.wait_dma2 semaphore(%run_scoped3A : memref<!tpu.dma_semaphore, #tpu.memory_space<semaphore_mem>>) src(%arg9 : memref<2048xf32, #tpu.memory_space<vmem>>) dst(%dma_wait3A_61 : memref<2048xf32, #tpu.memory_space<hbm>>)
      tpu.yield
    }) : () -> ()
    return
  }
}

module attributes {stable_mosaic.version = 14 : i64} {
  func.func @_minmax_body(%arg0: i32, %arg1: memref<2048x128xf32, #tpu.memory_space<vmem>>, %arg2: memref<1x128xf32, #tpu.memory_space<vmem>>, %arg3: memref<1x128xf32, #tpu.memory_space<vmem>>) attributes {dimension_semantics = [#tpu.dimension_semantics<arbitrary>], iteration_bounds = array<i64: 128>, scalar_prefetch = 0 : i64, scratch_operands = 0 : i64, tpu.core_type = #tpu.core_type<tc>, window_params = [{transform_indices = @transform_0, window_bounds = array<i64: 2048, 128>}, {pipeline_mode = #tpu.pipeline_mode<synchronous>, transform_indices = @transform_1, window_bounds = array<i64: 1, 128>}, {pipeline_mode = #tpu.pipeline_mode<synchronous>, transform_indices = @transform_2, window_bounds = array<i64: 1, 128>}]} {
    %get3A = arith.constant 0 : index
    %get3A_0 = arith.constant 0 : index
    %get3A_1 = vector.load %arg1[%get3A, %get3A_0] : memref<2048x128xf32, #tpu.memory_space<vmem>>, vector<2048x128xf32>
    %reduce_min3A = arith.constant dense<0x7F800000> : vector<128xf32>
    %reduce_min3A_2 = vector.multi_reduction <minimumf>, %get3A_1, %reduce_min3A [0] : vector<2048x128xf32> to vector<128xf32>
    %broadcast_in_dim3A = vector.shape_cast %reduce_min3A_2 : vector<128xf32> to vector<1x128xf32>
    %get3A_3 = arith.constant 0 : index
    %get3A_4 = arith.constant 0 : index
    %get3A_5 = vector.load %arg1[%get3A_3, %get3A_4] : memref<2048x128xf32, #tpu.memory_space<vmem>>, vector<2048x128xf32>
    %reduce_max3A = arith.constant dense<0xFF800000> : vector<128xf32>
    %reduce_max3A_6 = vector.multi_reduction <maximumf>, %get3A_5, %reduce_max3A [0] : vector<2048x128xf32> to vector<128xf32>
    %broadcast_in_dim3A_7 = vector.shape_cast %reduce_max3A_6 : vector<128xf32> to vector<1x128xf32>
    %eq3A = arith.constant 0 : i32
    %eq3A_8 = arith.cmpi eq, %arg0, %eq3A : i32
    %convert_element_type3A = arith.extui %eq3A_8 : i1 to i32
    %cond3A = arith.constant 0 : i32
    %cond3A_9 = arith.cmpi ne, %convert_element_type3A, %cond3A : i32
    scf.if %cond3A_9 {
      %swap3A = arith.constant 0 : index
      %swap3A_14 = arith.constant 0 : index
      %swap3A_15 = vector.load %arg2[%swap3A, %swap3A_14] : memref<1x128xf32, #tpu.memory_space<vmem>>, vector<1x128xf32>
      tpu.vector_store %arg2[%swap3A, %swap3A_14], %broadcast_in_dim3A {strides = array<i32>} : memref<1x128xf32, #tpu.memory_space<vmem>>, vector<1x128xf32>,
      %swap3A_16 = arith.constant 0 : index
      %swap3A_17 = arith.constant 0 : index
      %swap3A_18 = vector.load %arg3[%swap3A_16, %swap3A_17] : memref<1x128xf32, #tpu.memory_space<vmem>>, vector<1x128xf32>
      tpu.vector_store %arg3[%swap3A_16, %swap3A_17], %broadcast_in_dim3A_7 {strides = array<i32>} : memref<1x128xf32, #tpu.memory_space<vmem>>, vector<1x128xf32>,
    } else {
    }
    %gt3A = arith.constant 0 : i32
    %gt3A_10 = arith.cmpi sgt, %arg0, %gt3A : i32
    %convert_element_type3A_11 = arith.extui %gt3A_10 : i1 to i32
    %cond3A_12 = arith.constant 0 : i32
    %cond3A_13 = arith.cmpi ne, %convert_element_type3A_11, %cond3A_12 : i32
    scf.if %cond3A_13 {
      %get3A_14 = arith.constant 0 : index
      %get3A_15 = arith.constant 0 : index
      %get3A_16 = vector.load %arg2[%get3A_14, %get3A_15] : memref<1x128xf32, #tpu.memory_space<vmem>>, vector<1x128xf32>
      %min3A = arith.minimumf %get3A_16, %broadcast_in_dim3A : vector<1x128xf32>
      %swap3A = arith.constant 0 : index
      %swap3A_17 = arith.constant 0 : index
      %swap3A_18 = vector.load %arg2[%swap3A, %swap3A_17] : memref<1x128xf32, #tpu.memory_space<vmem>>, vector<1x128xf32>
      tpu.vector_store %arg2[%swap3A, %swap3A_17], %min3A {strides = array<i32>} : memref<1x128xf32, #tpu.memory_space<vmem>>, vector<1x128xf32>,
      %get3A_19 = arith.constant 0 : index
      %get3A_20 = arith.constant 0 : index
      %get3A_21 = vector.load %arg3[%get3A_19, %get3A_20] : memref<1x128xf32, #tpu.memory_space<vmem>>, vector<1x128xf32>
      %max3A = arith.maximumf %get3A_21, %broadcast_in_dim3A_7 : vector<1x128xf32>
      %swap3A_22 = arith.constant 0 : index
      %swap3A_23 = arith.constant 0 : index
      %swap3A_24 = vector.load %arg3[%swap3A_22, %swap3A_23] : memref<1x128xf32, #tpu.memory_space<vmem>>, vector<1x128xf32>
      tpu.vector_store %arg3[%swap3A_22, %swap3A_23], %max3A {strides = array<i32>} : memref<1x128xf32, #tpu.memory_space<vmem>>, vector<1x128xf32>,
    } else {
    }
    return
  }
  func.func @transform_0(%arg0: i32) -> (i32, i32) {
    %c0_i32 = arith.constant 0 : i32
    %c0_i32_0 = arith.constant 0 : i32
    return %arg0, %c0_i32 : i32, i32
  }
  func.func @transform_1(%arg0: i32) -> (i32, i32) {
    %c0_i32 = arith.constant 0 : i32
    %c0_i32_0 = arith.constant 0 : i32
    %c0_i32_1 = arith.constant 0 : i32
    return %c0_i32, %c0_i32_0 : i32, i32
  }
  func.func @transform_2(%arg0: i32) -> (i32, i32) {
    %c0_i32 = arith.constant 0 : i32
    %c0_i32_0 = arith.constant 0 : i32
    %c0_i32_1 = arith.constant 0 : i32
    return %c0_i32, %c0_i32_0 : i32, i32
  }
}

</mosaic_0001>

<sc_bundles>
// kernel: kernel.4.cloned.1.call-start
scs
__scs_entry_jumppad:
0x0: {  	(pc) =	sbr.rel $0x88, $3  }
0x1: {  	(tag) =	ssettag $0x0;
	lr =	simm.s32 $0x1  }
0x2: {  	[smem:$0x3FA0] =	sst lr;
	_ =	strace $0xD0000000  }
0x3: {  	_ = 	snop  }
0x4: {  	_ = 	snop  }
0x5: {  	_ = 	snop  }
0x6: {  	_ = 	snop  }
0x7: {  	_ = 	snop  }
__scs_overlays_trampoline_lowered:
0x8: {  	[smem:$0x3FAF] =	sst s0  }
0x9: {  	[smem:$0x3FB0] =	sst s1  }
0xa: {  	[smem:$0x3FB1] =	sst s2  }
0xb: {  	[smem:$0x3FB2] =	sst s3  }
0xc: {  	[smem:$0x3FB3] =	sst s4  }
0xd: {  	[smem:$0x3FB4] =	sst s5  }
0xe: {  	[smem:$0x3FB5] =	sst s6  }
0xf: {  	[smem:$0x3FB6] =	sst s7  }
0x10: {  	[smem:$0x3FB7] =	sst s8  }
0x11: {  	[smem:$0x3FB8] =	sst s9;
	s0 =	simm.s32 @!p0 $0x0  }
0x12: {  	s1 =	sld [smem:$0x3F9E];
	s0 =	simm.s32 @p0 $0x1  }
0x13: {  	[smem:$0x3FB9] =	sst s0;
	s0 =	simm.s32 @!p1 $0x0  }
0x14: {  	s2 =	sld [smem:$0x3F9D];
	s0 =	simm.s32 @p1 $0x1  }
0x15: {  	[smem:$0x3FBA] =	sst s0;
	s0 =	simm.s32 @!p2 $0x0  }
0x16: {  	s3 =	sld [smem:$0x3FDB];
	s0 =	simm.s32 @p2 $0x1  }
0x17: {  	s4 =	simm.s32 $0x1BF5;
	[smem:$0x3FBC] =	sst s0  }
0x18: {  	s0 =	sld [smem:$0x3F9F];
	_ =	swait.ge [sflag:s4], $0x0  }
0x19: {  	s7 =	sld [smem:$0x3FA0]  }
0x1a: {  	s8 =	sadd.s32 $0xFFFFE003, lr  }
0x1b: {  	s9 =	sadd.s32 $0xFFFFFEF7, lr;
	s5 =	simm.s32 $0xFFFFFFFF;
	p2 =	slt.u32 s8, $0xFFFFF086  }
0x1c: {  	p1 =	slt.u32 s9, $0xF7A;
	s5 =	simm.s32 @!p2 $0x0  }
0x1d: {  	s5 =	simm.s32 @p1 $0x1;
	p0 =	seq.s32 s7, s2  }
0x1e: {  	s7 =	smul.u32 @!p0 $0xF7A, s2;
	p2 =	seq.s32 @!p0 s5, $0x0  }
0x1f: {  	s9 =	smul.u32 $0xF7A, s1;
	s8 =	simm.s32 @!p0 $0x1BF5;
	p2 =	por !p2, p0  }
0x20: {  	[sflag:s8] =	ssyncset.s32 @!p0 $0xFFFFF086;
	s6 =	sadd.s32 @!p0 s3, s7;
	s7 =	simm.s32 @!p0 $0x108  }
0x21: {  	s3 =	sadd.s32 s3, s9;
	s6 =	sadd.s32 @!p0 $0x88, s6;
	s7 =	simm.s32 @p2 $0x1082  }
0x22: {  	[simem:s7], [sflag:s8] =	dma.local @!p0 [hbm:s6], $0xF7A  }
0x23: {  	s9 =	sor.u32 $0xD0000000, s2;
	s6 =	simm.s32 $0x108;
	_ =	swait.ge @!p0 [sflag:s8], $0x0  }
0x24: {  	s3 =	sadd.s32 $0x88, s3;
	s6 =	simm.s32 @!p1 $0x1082;
	[sflag:s4] =	ssyncset.s32 $0xFFFFF086  }
0x25: {  	[simem:s6], [sflag:s4] =	dma.local [hbm:s3], $0xF7A  }
0x26: {  	[smem:$0x3FA0] =	sst s1;
	(tag) =	ssettag s2;
	_ =	strace s9  }
0x27: {  	s1 =	sld [smem:$0x3FB0]  }
0x28: {  	s2 =	sld [smem:$0x3FB1]  }
0x29: {  	s4 =	sld [smem:$0x3FB3]  }
0x2a: {  	p0 =	seq.s32 s5, $0x0;
	s5 =	sld [smem:$0x3FB4]  }
0x2b: {  	s6 =	sld [smem:$0x3FB5]  }
0x2c: {  	s7 =	sld [smem:$0x3FB6]  }
0x2d: {  	s3 =	simm.s32 $0x108;
	s8 =	sld [smem:$0x3FB7]  }
0x2e: {  	s3 =	simm.s32 @!p0 $0x1082;
	s9 =	sld [smem:$0x3FB8]  }
0x2f: {  	lr =	sadd.s32 s0, s3;
	s0 =	sld [smem:$0x3FAF]  }
0x30: {  	s3 =	sld [smem:$0x3FB2]  }
0x31: {  	[smem:$0x3FBB] =	sst s10  }
0x32: {  	s10 =	sld [smem:$0x3FB9];
	_ =	sdelay $0x3  }
0x33: {  	p0 =	seq.s32 s10, $0x1;
	s10 =	sld [smem:$0x3FBB];
	_ =	sdelay $0x3  }
0x34: {  	[smem:$0x3FBB] =	sst s10  }
0x35: {  	s10 =	sld [smem:$0x3FBA];
	_ =	sdelay $0x3  }
0x36: {  	p1 =	seq.s32 s10, $0x1;
	s10 =	sld [smem:$0x3FBB];
	_ =	sdelay $0x3  }
0x37: {  	[smem:$0x3FBB] =	sst s10  }
0x38: {  	s10 =	sld [smem:$0x3FBC]  }
0x39: {  	_ = 	snop;
	(pc) =	sbr.ind lr, $3  }
0x3a: {  	_ = 	snop  }
0x3b: {  	_ = 	snop  }
0x3c: {  	p2 =	seq.s32 s10, $0x1;
	s10 =	sld [smem:$0x3FBB]  }
0x3d: {  	_ =	shalt  }
0x3e: {  	_ =	shalt  }
0x3f: {  	_ =	shalt  }
0x40: {  	_ =	shalt  }
0x41: {  	_ =	shalt  }
0x42: {  	_ =	shalt  }
0x43: {  	_ =	shalt  }
0x44: {  	_ =	shalt  }
0x45: {  	_ =	shalt  }
0x46: {  	_ =	shalt  }
0x47: {  	_ =	shalt  }
0x48: {  	_ =	shalt  }
0x49: {  	_ =	shalt  }
0x4a: {  	_ =	shalt  }
0x4b: {  	_ =	shalt  }
0x4c: {  	_ =	shalt  }
0x4d: {  	_ =	shalt  }
0x4e: {  	_ =	shalt  }
0x4f: {  	_ =	shalt  }
0x50: {  	_ =	shalt  }
0x51: {  	_ =	shalt  }
0x52: {  	_ =	shalt  }
0x53: {  	_ =	shalt  }
0x54: {  	_ =	shalt  }
0x55: {  	_ =	shalt  }
0x56: {  	_ =	shalt  }
0x57: {  	_ =	shalt  }
0x58: {  	_ =	shalt  }
0x59: {  	_ =	shalt  }
0x5a: {  	_ =	shalt  }
0x5b: {  	_ =	shalt  }
0x5c: {  	_ =	shalt  }
0x5d: {  	_ =	shalt  }
0x5e: {  	_ =	shalt  }
0x5f: {  	_ =	shalt  }
0x60: {  	_ =	shalt  }
0x61: {  	_ =	shalt  }
0x62: {  	_ =	shalt  }
0x63: {  	_ =	shalt  }
0x64: {  	_ =	shalt  }
0x65: {  	_ =	shalt  }
0x66: {  	_ =	shalt  }
0x67: {  	_ =	shalt  }
0x68: {  	_ =	shalt  }
0x69: {  	_ =	shalt  }
0x6a: {  	_ =	shalt  }
0x6b: {  	_ =	shalt  }
0x6c: {  	_ =	shalt  }
0x6d: {  	_ =	shalt  }
0x6e: {  	_ =	shalt  }
0x6f: {  	_ =	shalt  }
0x70: {  	_ =	shalt  }
0x71: {  	_ =	shalt  }
0x72: {  	_ =	shalt  }
0x73: {  	_ =	shalt  }
0x74: {  	_ =	shalt  }
0x75: {  	_ =	shalt  }
0x76: {  	_ =	shalt  }
0x77: {  	_ =	shalt  }
0x78: {  	_ =	shalt  }
0x79: {  	_ =	shalt  }
0x7a: {  	_ =	shalt  }
0x7b: {  	_ =	shalt  }
0x7c: {  	_ =	shalt  }
0x7d: {  	_ =	shalt  }
0x7e: {  	_ =	shalt  }
0x7f: {  	_ =	shalt  }
0x80: {  	_ =	shalt  }
0x81: {  	_ =	shalt  }
0x82: {  	_ =	shalt  }
0x83: {  	_ =	shalt  }
0x84: {  	_ =	shalt  }
0x85: {  	_ =	shalt  }
0x86: {  	_ =	shalt  }
0x87: {  	_ =	shalt  }
.Lfunc_end0:
.L_simem_size_0:
called_computation_lowered:
.L_overlay_start_0:
0x88: {  	s2 =	sld [smem:$0x3FD9]  }
0x89: {  	s3 =	sld [smem:$0x3FFE];
	_ =	sdelay $0x1  }
0x8a: {  	s1 =	srdreg.scid  }
0x8b: {  	s0 =	sand.u32 $0x1, s1  }
0x8c: {  	s17 =	sshll.u32 s0, $0xA;
	s2 =	sadd.s32 s3, s2  }
0x8d: {  	s2 =	sadd.s32 s2, s17  }
0x8e: {  	[smem:$0x3FC7] =	sst s2  }
0x8f: {  	_ = 	snop  }
0x90: {  	s2 =	sld [smem:$0x3FD0];
	(tm) =	ssettm $0x1  }
0x91: {  	s18 =	sld [smem:$0x3FFB];
	_ =	sdelay $0x3  }
0x92: {  	_ =	strace s18  }
0x93: {  	s3 =	sld [smem:$0x3FFC];
	_ =	sdelay $0x3  }
0x94: {  	_ =	strace s3  }
0x95: {  	s3 =	sld [smem:$0x3FFD];
	_ =	sdelay $0x3  }
0x96: {  	_ =	strace s3  }
0x97: {  	_ =	strace $0x8FFFFFFF  }
0x98: {  	s19 =	sld [smem:$0x3FDB];
	_ =	sdelay $0x1  }
0x99: {  	s4 =	simm.s32 $_scs_section_size  }
0x9a: {  	s5 =	simm.s32 $_size__tile_overlayer_lowered;
	s6 =	simm.s32 $_tile_overlayer_lowered  }
0x9b: {  	s22 =	simm.s32 $0x1BFF;
	s21 =	sshll.u32 s6, $0x1;
	s3 =	sadd.s32 s4, s19  }
0x9c: {  	s7 =	simm.s32 $0x0;
	s20 =	sshll.u32 s5, $0x1;
	s5 =	sadd.s32 s21, s3  }
0x9d: {  	[timem:s7], [sflag:s22] =	dma.local [hbm:s5], s20  }
0x9e: {  	_ =	swait.ge [sflag:s22], s20  }
0x9f: {  	s4 =	ssub.s32 $0x0, s20;
	[sflag:s22] =	ssyncset.done $0x0  }
0xa0: {  	[sflag:s22] =	ssyncadd.s32 s4;
	_ =	sdelay $0x1  }
0xa1: {  	s23 =	simm.s32 $0x1B8B  }
0xa2: {  	_ =	swait.ge [sflag:s23], $0x1  }
0xa3: {  	[sflag:s23] =	ssyncset.done $0x0  }
0xa4: {  	s25 =	simm.s32 $0x1B8E;
	s24 =	sld [smem:$0x3FFE];
	[sflag:s23] =	ssyncadd.s32 $0xFFFFFFFF  }
0xa5: {  	s26 =	simm.s32 $execute0_lowered;
	[smem:$0x3FD2] =	sst s25  }
0xa6: {  	s5 =	sshll.u32 s26, $0x1;
	_ =	strace $0x80000046;
	[dreg:$0x1] =	wrdreg $0xFFFFFFFF  }
0xa7: {  	s28 =	simm.s32 $_size_execute0_lowered;
	s3 =	sadd.s32 s3, s5;
	[dreg:$0x0] =	wrdreg $0x0  }
0xa8: {  	s5 =	sshll.u32 s28, $0x1;
	[dreg:$0x2] =	wrdreg s3  }
0xa9: {  	[dreg:$0x3] =	wrdreg s5  }
0xaa: {  	[dreg:$0x4] =	wrdreg $0xC0  }
0xab: {  	_ =	task [dreg:s7], $0x5FFFF  }
0xac: {  	[dreg:$0x1] =	wrdreg $0xFFFFFFFF  }
0xad: {  	[dreg:$0x0] =	wrdreg $0x60  }
0xae: {  	[dreg:$0x2] =	wrdreg s24  }
0xaf: {  	[dreg:$0x3] =	wrdreg s2  }
0xb0: {  	[dreg:$0x4] =	wrdreg $0x9  }
0xb1: {  	_ =	task.clear_ibuf [dreg:s7], $0x5FFFF;
	_ =	strace $0x90000046  }
0xb2: {  	s29 =	simm.s32 $0x9;
	_ =	strace $0x80000048  }
0xb3: {  	_ =	swait.ge [sflag:s29], $0x1  }
0xb4: {  	[sflag:s29] =	ssyncadd.s32 $0xFFFFFFFF  }
0xb5: {  	_ =	strace $0x90000048  }
0xb6: {  	_ =	sfence  }
0xb7: {  	s30 =	sld [smem:$0x0];
	_ =	sdelay $0x2  }
0xb8: {  	s31 =	sshll.u32 s1, $0xD;
	s1 =	sshrl.u32 s1, $0x2  }
0xb9: {  	s3 =	sand.u32 $0x4000, s31;
	s1 =	sadd.s32 s1, s30  }
0xba: {  	s0 =	sor.u32 s3, s0;
	s1 =	sshll.u32 s1, $0x11  }
0xbb: {  	s0 =	sor.u32 s1, s0  }
0xbc: {  	s0 =	sadd.s32 $0x8F2B, s0  }
0xbd: {  	[sflag:s0] =	ssyncadd.remote.s32 $0x1  }
0xbe: {  	_ =	sfence.sel $0xFFFF  }
0xbf: {  	[dreg:$0x0] =	wrdreg $0xFFFFFFFF;
	(pc) =	sbr.abs _section_cstart, $3  }
0xc0: {  	[dreg:$0x1] =	wrdreg $0xFFFFFFFF  }
0xc1: {  	_ =	task.clear_ibuf [dreg:s7], $0x2FFFF;
	_ =	strace $0x9FFFFFFF  }
0xc2: {  	(tm) =	ssettm $0x7FFFFFFF  }
0xc3: {  	_ =	shalt  }
tec
execute0_lowered:
.L_overlay_start_1:
0x0: {  	(tag) =	ssettag $0x1  }
0x1: {  	s2 =	rddreg [dreg:$0x0]  }
0x2: {  	s3 =	rddreg [dreg:$0x1]  }
0x3: {  	s0 =	rddreg [dreg:$0x2]  }
0x4: {  	s5 =	srdreg.scid;
	s1 =	stileid.u32;
	s4 =	simm.s32 $0x0  }
0x5: {  	s11 =	simm.s32 $0x10020;
	s12 =	simm.s32 $0x1;
	s13 =	simm.s32 $0x8000  }
0x6: {  	s14 =	simm.s32 $0x10080;
	s15 =	simm.s32 $0x10880;
	s16 =	simm.s32 $0x11080  }
0x7: {  	s17 =	simm.s32 $0x11880;
	s18 =	simm.s32 $0x2;
	s19 =	simm.s32 $0x80  }
0x8: {  	s20 =	simm.s32 $0x400;
	s21 =	simm.s32 $0x0;
	s5 =	sand.u32 $0x1, s5  }
0x9: {  	s6 =	sshll.u32 s1, $0x1;
	[smem:$0x7FF] =	sst s4;
	s8 =	sshll.u32 s1, $0x9  }
0xa: {  	s6 =	sor.u32 s5, s6;
	_ =	strace $0x80000047;
	s5 =	ssub.s32 $0x2, s5  }
0xb: {  	s8 =	sand.u32 $0x1800, s8;
	s7 =	sshll.u32 s6, $0x11;
	s9 =	sshrl.u32 s5, $0x1  }
0xc: {  	v0 =	vlaneseq.u32;
	s6 =	sshll.u32 s6, $0x4;
	s8 =	sadd.s32 s8, s2;
	s7 =	sadd.s32 s7, s2  }
0xd: {  	v0 =	vmul.u32 $0x40, v0;
	s9 =	ssub.s32 s5, s9;
	s10 =	sand.u32 $0x70, s6;
	s5 =	sadd.s32 $0x1000000, s7  }
0xe: {  	v1 =	vimm.f32 $0.0e+00;
	v3 =	vimm.f32 $1.000000000e+00;
	s6 =	sadd.s32 $0x1002000, s7;
	s31 =	sadd.s32 s10, s8;
	s8 =	smax.u32 s9, $0x1  }
0xf: {  	v2 =	vor.u32 $0x3F, v0;
	v4 =	vor.u32 $0x400, v0;
	v5 =	vor.u32 $0x43F, v0;
	s9 =	simm.s32 $0x10000;
	s10 =	simm.s32 $0x3;
	s7 =	sadd.s32 $0x200, s31  }
.LBB2_1:
0x10: {  	[tilespmem:s9], [sflag:$0x3] =	stream.linear.gather [hbm4b:s2+s4], $0x20, $0x38;
	[tilespmem:$0x12080] =	vst v63  }
0x11: {  	_ =	swait.ge [sflag:s10], $0x20  }
0x12: {  	[sflag:s10] =	ssyncset.done $0x0  }
0x13: {  	[sflag:s10] =	ssyncadd.s32 $0xFFFFFFE0  }
0x14: {  	[tilespmem:s11], [sflag:$0x3] =	stream.linear.gather [hbm4b:s3+s4], $0x20, $0x38;
	[tilespmem:$0x12080] =	vst v63  }
0x15: {  	_ =	swait.ge [sflag:s10], $0x20  }
0x16: {  	[sflag:s10] =	ssyncset.done $0x0  }
0x17: {  	[sflag:s10] =	ssyncadd.s32 $0xFFFFFFE0  }
0x18: {  	v9 =	vld [tilespmem:$0x10030]  }
0x19: {  	v6 =	vld [tilespmem:$0x10000]  }
0x1a: {  	v7 =	vld [tilespmem:$0x10010]  }
0x1b: {  	s23 =	simm.s32 $0x40;
	s22 =	simm.s32 $0x0;
	v8 =	vld [tilespmem:$0x10020]  }
.LBB2_2:
0x1c: {  	p0 =	sne.s32 s23, $0x1FC0;
	[tilespmem:s22+$0x11880] =	vst v1;
	s24 =	smov.u32 s23;
	s23 =	sadd.s32 $0x40, s23  }
.Ltmp0:
0x1d: {  	[tilespmem:s22+$0x11080] =	vst v1;
	(pc) =	sbr.rel @p0 .LBB2_2-.Ltmp0, $3  }
0x1e: {  	[tilespmem:s22+$0x10080] =	vst v1  }
0x1f: {  	[tilespmem:s22+$0x10880] =	vst v1;
	_ =	sdelay $0x1  }
0x20: {  	s22 =	sshra.s32 s24, $0x2  }
0x21: {  	[tilespmem:s22+$0x11880] =	vst v1  }
0x22: {  	[tilespmem:s22+$0x11080] =	vst v1  }
0x23: {  	[tilespmem:s22+$0x10080] =	vst v1  }
0x24: {  	[tilespmem:s22+$0x10880] =	vst v1;
	s22 =	simm.s32 $0x0  }
0x25: {  	[tilespmem:s22], [sflag:$0x1] =	stream.linear.gather [hbm4b:s5+s22], $0x8000, $0x38;
	[tilespmem:$0x12080] =	vst v63  }
.LBB2_4:
0x26: {  	s23 =	sshll.u32 s22, $0xD;
	_ =	swait.ge [sflag:s12], $0x8000  }
0x27: {  	[sflag:s12] =	ssyncset.done $0x0;
	s24 =	sadd.s32 s23, s5  }
0x28: {  	s29 =	simm.s32 $0x80;
	[sflag:s12] =	ssyncadd.s32 $0xFFFF8000;
	s24 =	sadd.s32 $0x1000, s24  }
0x29: {  	[tilespmem:s13], [sflag:$0x2] =	stream.linear.gather [hbm4b:s24+s4], $0x8000, $0x38;
	[tilespmem:$0x12080] =	vst v63  }
0x2a: {  	v10 =	vld [tilespmem:s29+$0x0];
	_ =	sdelay $0x4  }
0x2b: {  	v10 =	vmul.f32 v10, v6;
	_ =	sdelay $0x1  }
0x2c: {  	v10 =	vadd.f32 v10, v8;
	_ =	sdelay $0x1  }
0x2d: {  	v10 =	vtrunc.f32 v10  }
0x2e: {  	v10 =	vcvt.f32.s32 v10;
	_ =	sdelay $0x1  }
0x2f: {  	vm0 =	vgt.s32 v10, v0  }
0x30: {  	v10 =	vsel vm0, v10, v0  }
0x31: {  	v10 =	vmin.u32 v10, v2;
	_ =	sdelay $0x1  }
0x32: {  	v11 =	vld [tilespmem:s29+$0xFFFFFF80];
	_ =	sdelay $0x2  }
0x33: {  	[tilespmem:v10+s14+$0x0] =	vst.idx.add.f32.msk $0xffff, v3  }
0x34: {  	v10 =	vld [tilespmem:s29+$0x10]  }
0x35: {  	v11 =	vmul.f32 v11, v6;
	_ =	sdelay $0x1  }
0x36: {  	v11 =	vadd.f32 v11, v8;
	_ =	sdelay $0x1  }
0x37: {  	v11 =	vtrunc.f32 v11;
	v10 =	vmul.f32 v10, v7  }
0x38: {  	v11 =	vcvt.f32.s32 v11  }
0x39: {  	v10 =	vadd.f32 v10, v9  }
0x3a: {  	vm0 =	vgt.s32 v11, v0  }
0x3b: {  	v11 =	vsel vm0, v11, v0;
	v10 =	vtrunc.f32 v10  }
0x3c: {  	v11 =	vmin.u32 v11, v2;
	v10 =	vcvt.f32.s32 v10;
	_ =	sdelay $0x1  }
0x3d: {  	vm0 =	vgt.s32 v10, v4  }
0x3e: {  	v10 =	vsel vm0, v10, v4  }
0x3f: {  	v10 =	vmin.u32 v10, v5  }
0x40: {  	[tilespmem:v11+s14+$0x0] =	vst.idx.add.f32.msk $0xffff, v3  }
0x41: {  	s28 =	simm.s32 $0x180;
	v11 =	vld [tilespmem:s29+$0xFFFFFF90]  }
0x42: {  	v12 =	vld [tilespmem:s28+$0x0];
	_ =	sdelay $0x1  }
0x43: {  	[tilespmem:v10+s15+$0x0] =	vst.idx.add.f32.msk $0xffff, v3  }
0x44: {  	v10 =	vld [tilespmem:s29+$0x20]  }
0x45: {  	v11 =	vmul.f32 v11, v7  }
0x46: {  	v12 =	vmul.f32 v12, v6  }
0x47: {  	v11 =	vadd.f32 v11, v9  }
0x48: {  	v12 =	vadd.f32 v12, v8  }
0x49: {  	v11 =	vtrunc.f32 v11;
	v10 =	vmul.f32 v10, v6  }
0x4a: {  	v12 =	vtrunc.f32 v12;
	v11 =	vcvt.f32.s32 v11  }
0x4b: {  	v12 =	vcvt.f32.s32 v12;
	v10 =	vadd.f32 v10, v8  }
0x4c: {  	vm0 =	vgt.s32 v11, v4  }
0x4d: {  	v11 =	vsel vm0, v11, v4;
	vm0 =	vgt.s32 v12, v0;
	v10 =	vtrunc.f32 v10  }
0x4e: {  	v13 =	vld [tilespmem:s28+$0xFFFFFF80];
	v11 =	vmin.u32 v11, v5;
	v12 =	vsel vm0, v12, v0;
	v10 =	vcvt.f32.s32 v10  }
0x4f: {  	v12 =	vmin.u32 v12, v2  }
0x50: {  	vm0 =	vgt.s32 v10, v0  }
0x51: {  	v10 =	vsel vm0, v10, v0  }
0x52: {  	v10 =	vmin.u32 v10, v2  }
0x53: {  	[tilespmem:v11+s15+$0x0] =	vst.idx.add.f32.msk $0xffff, v3;
	v11 =	vmul.f32 v13, v6  }
0x54: {  	[tilespmem:v12+s14+$0x0] =	vst.idx.add.f32.msk $0xffff, v3  }
0x55: {  	v11 =	vadd.f32 v11, v8;
	v12 =	vld [tilespmem:s28+$0x10]  }
0x56: {  	v13 =	vld [tilespmem:s29+$0xFFFFFFA0]  }
0x57: {  	v11 =	vtrunc.f32 v11;
	[tilespmem:v10+s16+$0x0] =	vst.idx.add.f32.msk $0xffff, v3  }
0x58: {  	v10 =	vcvt.f32.s32 v11;
	v11 =	vld [tilespmem:s29+$0x30];
	_ =	sdelay $0x1  }
0x59: {  	v12 =	vmul.f32 v12, v7;
	vm0 =	vgt.s32 v10, v0  }
0x5a: {  	v10 =	vsel vm0, v10, v0  }
0x5b: {  	v13 =	vmul.f32 v13, v6;
	v12 =	vadd.f32 v12, v9;
	v10 =	vmin.u32 v10, v2  }
0x5c: {  	v11 =	vmul.f32 v11, v7  }
0x5d: {  	v13 =	vadd.f32 v13, v8;
	v12 =	vtrunc.f32 v12  }
0x5e: {  	v12 =	vcvt.f32.s32 v12;
	v11 =	vadd.f32 v11, v9  }
0x5f: {  	v13 =	vtrunc.f32 v13  }
0x60: {  	v13 =	vcvt.f32.s32 v13;
	vm0 =	vgt.s32 v12, v4;
	[tilespmem:v10+s14+$0x0] =	vst.idx.add.f32.msk $0xffff, v3;
	v10 =	vtrunc.f32 v11  }
0x61: {  	v12 =	vsel vm0, v12, v4;
	v11 =	vld [tilespmem:s28+$0xFFFFFF90];
	v10 =	vcvt.f32.s32 v10  }
0x62: {  	vm0 =	vgt.s32 v13, v0;
	v12 =	vmin.u32 v12, v5  }
0x63: {  	v13 =	vsel vm0, v13, v0;
	vm0 =	vgt.s32 v10, v4  }
0x64: {  	v13 =	vmin.u32 v13, v2;
	v10 =	vsel vm0, v10, v4  }
0x65: {  	s24 =	simm.s32 $0x280;
	v10 =	vmin.u32 v10, v5  }
0x66: {  	v14 =	vld [tilespmem:s24+$0x0];
	v11 =	vmul.f32 v11, v7  }
0x67: {  	[tilespmem:v12+s15+$0x0] =	vst.idx.add.f32.msk $0xffff, v3  }
0x68: {  	v12 =	vld [tilespmem:s28+$0x20];
	v11 =	vadd.f32 v11, v9  }
0x69: {  	[tilespmem:v13+s16+$0x0] =	vst.idx.add.f32.msk $0xffff, v3  }
0x6a: {  	v11 =	vtrunc.f32 v11;
	[tilespmem:v10+s17+$0x0] =	vst.idx.add.f32.msk $0xffff, v3  }
0x6b: {  	v13 =	vmul.f32 v14, v6;
	v10 =	vcvt.f32.s32 v11;
	v11 =	vld [tilespmem:s29+$0x40]  }
0x6c: {  	v14 =	vld [tilespmem:s29+$0xFFFFFFB0]  }
0x6d: {  	v13 =	vadd.f32 v13, v8;
	v12 =	vmul.f32 v12, v6;
	vm0 =	vgt.s32 v10, v4  }
0x6e: {  	v10 =	vsel vm0, v10, v4  }
0x6f: {  	v13 =	vtrunc.f32 v13;
	v12 =	vadd.f32 v12, v8;
	v10 =	vmin.u32 v10, v5  }
0x70: {  	v13 =	vcvt.f32.s32 v13;
	v11 =	vmul.f32 v11, v6  }
0x71: {  	v15 =	vld [tilespmem:s24+$0xFFFFFF80];
	v14 =	vmul.f32 v14, v7;
	v12 =	vtrunc.f32 v12  }
0x72: {  	v12 =	vcvt.f32.s32 v12;
	vm0 =	vgt.s32 v13, v0;
	v11 =	vadd.f32 v11, v8  }
0x73: {  	v14 =	vadd.f32 v14, v9;
	v13 =	vsel vm0, v13, v0  }
0x74: {  	vm0 =	vgt.s32 v12, v0;
	[tilespmem:v10+s15+$0x0] =	vst.idx.add.f32.msk $0xffff, v3;
	v10 =	vtrunc.f32 v11;
	v11 =	vmin.u32 v13, v2  }
0x75: {  	v12 =	vsel vm0, v12, v0;
	v13 =	vld [tilespmem:s28+$0xFFFFFFA0];
	v10 =	vcvt.f32.s32 v10  }
0x76: {  	v15 =	vmul.f32 v15, v6;
	v14 =	vtrunc.f32 v14;
	v12 =	vmin.u32 v12, v2  }
0x77: {  	v14 =	vcvt.f32.s32 v14;
	vm0 =	vgt.s32 v10, v0  }
0x78: {  	v15 =	vadd.f32 v15, v8;
	v10 =	vsel vm0, v10, v0  }
0x79: {  	vm0 =	vgt.s32 v14, v4;
	v10 =	vmin.u32 v10, v2;
	[tilespmem:v11+s14+$0x0] =	vst.idx.add.f32.msk $0xffff, v3  }
0x7a: {  	v11 =	vsel vm0, v14, v4;
	v13 =	vmul.f32 v13, v6;
	v14 =	vtrunc.f32 v15;
	v15 =	vld [tilespmem:s24+$0x10]  }
0x7b: {  	[tilespmem:v12+s16+$0x0] =	vst.idx.add.f32.msk $0xffff, v3;
	v11 =	vmin.u32 v11, v5;
	v14 =	vcvt.f32.s32 v14  }
0x7c: {  	v12 =	vadd.f32 v13, v8;
	v13 =	vld [tilespmem:s28+$0x30]  }
0x7d: {  	vm0 =	vgt.s32 v14, v0  }
0x7e: {  	v12 =	vtrunc.f32 v12;
	v14 =	vsel vm0, v14, v0;
	[tilespmem:v10+s14+$0x0] =	vst.idx.add.f32.msk $0xffff, v3  }
0x7f: {  	v10 =	vcvt.f32.s32 v12;
	v12 =	vmin.u32 v14, v2;
	v14 =	vld [tilespmem:s29+$0x50];
	v15 =	vmul.f32 v15, v7  }
0x80: {  	[tilespmem:v11+s17+$0x0] =	vst.idx.add.f32.msk $0xffff, v3  }
0x81: {  	vm0 =	vgt.s32 v10, v0;
	v13 =	vmul.f32 v13, v7;
	v11 =	vadd.f32 v15, v9  }
0x82: {  	v15 =	vld [tilespmem:s29+$0xFFFFFFC0];
	v10 =	vsel vm0, v10, v0  }
0x83: {  	v10 =	vmin.u32 v10, v2;
	v13 =	vadd.f32 v13, v9;
	v11 =	vtrunc.f32 v11  }
0x84: {  	[tilespmem:v12+s14+$0x0] =	vst.idx.add.f32.msk $0xffff, v3;
	v12 =	vmul.f32 v14, v7;
	v11 =	vcvt.f32.s32 v11  }
0x85: {  	v14 =	vld [tilespmem:s24+$0xFFFFFF90];
	v13 =	vtrunc.f32 v13  }
0x86: {  	v13 =	vcvt.f32.s32 v13;
	v12 =	vadd.f32 v12, v9;
	vm0 =	vgt.s32 v11, v4  }
0x87: {  	v15 =	vmul.f32 v15, v6;
	v11 =	vsel vm0, v11, v4  }
0x88: {  	[tilespmem:v10+s16+$0x0] =	vst.idx.add.f32.msk $0xffff, v3;
	vm0 =	vgt.s32 v13, v4;
	v10 =	vtrunc.f32 v12;
	v11 =	vmin.u32 v11, v5  }
0x89: {  	v12 =	vld [tilespmem:s28+$0xFFFFFFB0];
	v13 =	vsel vm0, v13, v4;
	v10 =	vcvt.f32.s32 v10  }
0x8a: {  	v15 =	vadd.f32 v15, v8;
	v14 =	vmul.f32 v14, v7;
	v13 =	vmin.u32 v13, v5  }
0x8b: {  	s25 =	simm.s32 $0x380;
	vm0 =	vgt.s32 v10, v4  }
0x8c: {  	v16 =	vld [tilespmem:s25+$0x0];
	v15 =	vtrunc.f32 v15;
	v14 =	vadd.f32 v14, v9;
	v10 =	vsel vm0, v10, v4  }
0x8d: {  	v15 =	vcvt.f32.s32 v15;
	v10 =	vmin.u32 v10, v5;
	[tilespmem:v11+s15+$0x0] =	vst.idx.add.f32.msk $0xffff, v3  }
0x8e: {  	v11 =	vmul.f32 v12, v7;
	v12 =	vtrunc.f32 v14;
	v14 =	vld [tilespmem:s24+$0x20]  }
0x8f: {  	v12 =	vcvt.f32.s32 v12;
	[tilespmem:v13+s17+$0x0] =	vst.idx.add.f32.msk $0xffff, v3  }
0x90: {  	vm0 =	vgt.s32 v15, v0;
	v11 =	vadd.f32 v11, v9;
	v13 =	vld [tilespmem:s28+$0x40]  }
0x91: {  	v16 =	vmul.f32 v16, v6;
	v15 =	vsel vm0, v15, v0;
	vm0 =	vgt.s32 v12, v4  }
0x92: {  	v15 =	vmin.u32 v15, v2;
	v11 =	vtrunc.f32 v11;
	v12 =	vsel vm0, v12, v4;
	[tilespmem:v10+s15+$0x0] =	vst.idx.add.f32.msk $0xffff, v3  }
0x93: {  	v10 =	vmin.u32 v12, v5;
	v12 =	vadd.f32 v16, v8;
	v14 =	vmul.f32 v14, v6  }
0x94: {  	v11 =	vcvt.f32.s32 v11;
	v16 =	vld [tilespmem:s29+$0x60]  }
0x95: {  	v12 =	vtrunc.f32 v12;
	v13 =	vmul.f32 v13, v6;
	v14 =	vadd.f32 v14, v8  }
0x96: {  	v17 =	vld [tilespmem:s25+$0xFFFFFF80];
	vm0 =	vgt.s32 v11, v4;
	v12 =	vcvt.f32.s32 v12  }
0x97: {  	[tilespmem:v15+s14+$0x0] =	vst.idx.add.f32.msk $0xffff, v3;
	v11 =	vsel vm0, v11, v4;
	v13 =	vadd.f32 v13, v8;
	v14 =	vtrunc.f32 v14  }
0x98: {  	v11 =	vmin.u32 v11, v5;
	[tilespmem:v10+s15+$0x0] =	vst.idx.add.f32.msk $0xffff, v3;
	vm0 =	vgt.s32 v12, v0;
	v10 =	vcvt.f32.s32 v14  }
0x99: {  	v14 =	vmul.f32 v16, v6;
	v15 =	vld [tilespmem:s24+$0xFFFFFFA0];
	v12 =	vsel vm0, v12, v0;
	v13 =	vtrunc.f32 v13  }
0x9a: {  	v16 =	vld [tilespmem:s29+$0xFFFFFFD0];
	v12 =	vmin.u32 v12, v2;
	v13 =	vcvt.f32.s32 v13;
	vm0 =	vgt.s32 v10, v0  }
0x9b: {  	v17 =	vmul.f32 v17, v6;
	v14 =	vadd.f32 v14, v8;
	v10 =	vsel vm0, v10, v0  }
0x9c: {  	vm0 =	vgt.s32 v13, v0;
	v10 =	vmin.u32 v10, v2  }
0x9d: {  	[tilespmem:v11+s17+$0x0] =	vst.idx.add.f32.msk $0xffff, v3;
	v11 =	vtrunc.f32 v14;
	v14 =	vadd.f32 v17, v8;
	v13 =	vsel vm0, v13, v0  }
0x9e: {  	v17 =	vld [tilespmem:s28+$0xFFFFFFC0];
	v11 =	vcvt.f32.s32 v11;
	v15 =	vmul.f32 v15, v6;
	v13 =	vmin.u32 v13, v2  }
0x9f: {  	v16 =	vmul.f32 v16, v7;
	v14 =	vtrunc.f32 v14;
	[tilespmem:v12+s14+$0x0] =	vst.idx.add.f32.msk $0xffff, v3  }
0xa0: {  	vm0 =	vgt.s32 v11, v0;
	v12 =	vadd.f32 v15, v8;
	v14 =	vcvt.f32.s32 v14;
	v15 =	vld [tilespmem:s25+$0x10]  }
0xa1: {  	v11 =	vsel vm0, v11, v0;
	[tilespmem:v10+s16+$0x0] =	vst.idx.add.f32.msk $0xffff, v3  }
0xa2: {  	v10 =	vadd.f32 v16, v9;
	v12 =	vtrunc.f32 v12;
	vm0 =	vgt.s32 v14, v0;
	v16 =	vld [tilespmem:s24+$0x30]  }
0xa3: {  	v11 =	vmin.u32 v11, v2;
	v12 =	vcvt.f32.s32 v12;
	v14 =	vsel vm0, v14, v0;
	[tilespmem:v13+s14+$0x0] =	vst.idx.add.f32.msk $0xffff, v3  }
0xa4: {  	v13 =	vmin.u32 v14, v2;
	v14 =	vld [tilespmem:s28+$0x50]  }
0xa5: {  	v10 =	vtrunc.f32 v10;
	vm0 =	vgt.s32 v12, v0;
	v15 =	vmul.f32 v15, v7  }
0xa6: {  	v10 =	vcvt.f32.s32 v10;
	v12 =	vsel vm0, v12, v0  }
0xa7: {  	v12 =	vmin.u32 v12, v2;
	v15 =	vadd.f32 v15, v9;
	v16 =	vmul.f32 v16, v7  }
0xa8: {  	v17 =	vmul.f32 v17, v6;
	[tilespmem:v11+s16+$0x0] =	vst.idx.add.f32.msk $0xffff, v3;
	vm0 =	vgt.s32 v10, v4  }
0xa9: {  	[tilespmem:v13+s14+$0x0] =	vst.idx.add.f32.msk $0xffff, v3;
	v11 =	vtrunc.f32 v15;
	v14 =	vmul.f32 v14, v7;
	v13 =	vadd.f32 v16, v9  }
0xaa: {  	v10 =	vsel vm0, v10, v4;
	v15 =	vadd.f32 v17, v8;
	v16 =	vld [tilespmem:s25+$0xFFFFFF90];
	v11 =	vcvt.f32.s32 v11  }
0xab: {  	v17 =	vld [tilespmem:s29+$0x70];
	v10 =	vmin.u32 v10, v5;
	v14 =	vadd.f32 v14, v9;
	v13 =	vtrunc.f32 v13  }
0xac: {  	[tilespmem:v12+s16+$0x0] =	vst.idx.add.f32.msk $0xffff, v3;
	vm0 =	vgt.s32 v11, v4;
	v12 =	vcvt.f32.s32 v13  }
0xad: {  	s26 =	simm.s32 $0x480;
	v13 =	vtrunc.f32 v15;
	v15 =	vld [tilespmem:s24+$0xFFFFFFB0];
	v11 =	vsel vm0, v11, v4;
	v14 =	vtrunc.f32 v14  }
0xae: {  	v18 =	vld [tilespmem:s26+$0x0];
	v11 =	vmin.u32 v11, v5;
	v14 =	vcvt.f32.s32 v14;
	vm0 =	vgt.s32 v12, v4  }
0xaf: {  	v16 =	vmul.f32 v16, v7;
	v12 =	vsel vm0, v12, v4  }
0xb0: {  	v13 =	vcvt.f32.s32 v13;
	[tilespmem:v10+s15+$0x0] =	vst.idx.add.f32.msk $0xffff, v3;
	vm0 =	vgt.s32 v14, v4;
	v10 =	vmin.u32 v12, v5  }
0xb1: {  	v19 =	vld [tilespmem:s26+$0xFFFFFF80];
	v17 =	vmul.f32 v17, v7;
	v16 =	vadd.f32 v16, v9;
	v14 =	vsel vm0, v14, v4  }
0xb2: {  	vm1 =	vgt.s32 v13, v0;
	v12 =	vld [tilespmem:s29+$0xFFFFFFE0];
	v15 =	vmul.f32 v15, v7;
	v14 =	vmin.u32 v14, v5  }
0xb3: {  	v18 =	vmul.f32 v18, v6;
	v13 =	vsel vm1, v13, v0;
	v16 =	vtrunc.f32 v16;
	[tilespmem:v11+s15+$0x0] =	vst.idx.add.f32.msk $0xffff, v3  }
0xb4: {  	v11 =	vadd.f32 v17, v9;
	v15 =	vadd.f32 v15, v9;
	v16 =	vcvt.f32.s32 v16;
	v17 =	vld [tilespmem:s25+$0x20]  }
0xb5: {  	v18 =	vadd.f32 v18, v8;
	v13 =	vmin.u32 v13, v2;
	[tilespmem:v10+s17+$0x0] =	vst.idx.add.f32.msk $0xffff, v3  }
0xb6: {  	v10 =	vtrunc.f32 v11;
	v11 =	vtrunc.f32 v15;
	vm0 =	vgt.s32 v16, v4;
	v15 =	vld [tilespmem:s24+$0x40]  }
0xb7: {  	v16 =	vsel vm0, v16, v4;
	[tilespmem:v14+s15+$0x0] =	vst.idx.add.f32.msk $0xffff, v3  }
0xb8: {  	v19 =	vmul.f32 v19, v6;
	v18 =	vtrunc.f32 v18;
	v14 =	vmin.u32 v16, v5;
	v16 =	vld [tilespmem:s28+$0x60]  }
0xb9: {  	v11 =	vcvt.f32.s32 v11;
	v17 =	vmul.f32 v17, v6  }
0xba: {  	v12 =	vmul.f32 v12, v6;
	v10 =	vcvt.f32.s32 v10  }
0xbb: {  	[tilespmem:v13+s14+$0x0] =	vst.idx.add.f32.msk $0xffff, v3;
	v13 =	vcvt.f32.s32 v18;
	vm1 =	vgt.s32 v11, v4;
	v17 =	vadd.f32 v17, v8  }
0xbc: {  	v12 =	vadd.f32 v12, v8;
	v11 =	vsel vm1, v11, v4;
	v15 =	vmul.f32 v15, v6  }
0xbd: {  	v11 =	vmin.u32 v11, v5;
	[tilespmem:v14+s15+$0x0] =	vst.idx.add.f32.msk $0xffff, v3;
	v14 =	vtrunc.f32 v17;
	v16 =	vmul.f32 v16, v6  }
0xbe: {  	vm1 =	vgt.s32 v13, v0;
	v15 =	vadd.f32 v15, v8;
	v17 =	vld [tilespmem:s25+$0xFFFFFFA0];
	v14 =	vcvt.f32.s32 v14  }
0xbf: {  	vm0 =	vgt.s32 v10, v4;
	v13 =	vsel vm1, v13, v0;
	v16 =	vadd.f32 v16, v8  }
0xc0: {  	v13 =	vmin.u32 v13, v2;
	v15 =	vtrunc.f32 v15;
	vm1 =	vgt.s32 v14, v0  }
0xc1: {  	v18 =	vld [tilespmem:s28+$0xFFFFFFD0];
	v15 =	vcvt.f32.s32 v15;
	v14 =	vsel vm1, v14, v0;
	v16 =	vtrunc.f32 v16  }
0xc2: {  	v12 =	vtrunc.f32 v12;
	[tilespmem:v11+s17+$0x0] =	vst.idx.add.f32.msk $0xffff, v3;
	v11 =	vmin.u32 v14, v2;
	v14 =	vcvt.f32.s32 v16  }
0xc3: {  	v16 =	vadd.f32 v19, v8;
	vm1 =	vgt.s32 v15, v0;
	v17 =	vmul.f32 v17, v6  }
0xc4: {  	v10 =	vsel vm0, v10, v4;
	v19 =	vld [tilespmem:s24+$0xFFFFFFC0];
	v15 =	vsel vm1, v15, v0;
	vm1 =	vgt.s32 v14, v0  }
0xc5: {  	[tilespmem:v13+s14+$0x0] =	vst.idx.add.f32.msk $0xffff, v3;
	v16 =	vtrunc.f32 v16;
	v15 =	vmin.u32 v15, v2;
	v13 =	vadd.f32 v17, v8  }
0xc6: {  	v18 =	vmul.f32 v18, v7;
	v14 =	vsel vm1, v14, v0;
	v16 =	vcvt.f32.s32 v16;
	v17 =	vld [tilespmem:s26+$0x10]  }
0xc7: {  	v12 =	vcvt.f32.s32 v12;
	v14 =	vmin.u32 v14, v2;
	v13 =	vtrunc.f32 v13;
	[tilespmem:v11+s16+$0x0] =	vst.idx.add.f32.msk $0xffff, v3  }
0xc8: {  	v18 =	vadd.f32 v18, v9;
	vm1 =	vgt.s32 v16, v0;
	v11 =	vcvt.f32.s32 v13;
	v13 =	vld [tilespmem:s25+$0x30]  }
0xc9: {  	vm0 =	vgt.s32 v12, v0;
	v19 =	vmul.f32 v19, v6;
	v16 =	vsel vm1, v16, v0  }
0xca: {  	v18 =	vtrunc.f32 v18;
	v16 =	vmin.u32 v16, v2;
	[tilespmem:v15+s14+$0x0] =	vst.idx.add.f32.msk $0xffff, v3;
	vm1 =	vgt.s32 v11, v0  }
0xcb: {  	v15 =	vcvt.f32.s32 v18;
	v17 =	vmul.f32 v17, v7;
	v18 =	vld [tilespmem:s24+$0x50];
	v11 =	vsel vm1, v11, v0  }
0xcc: {  	[tilespmem:v14+s16+$0x0] =	vst.idx.add.f32.msk $0xffff, v3;
	v14 =	vadd.f32 v19, v8;
	v11 =	vmin.u32 v11, v2  }
0xcd: {  	vm1 =	vgt.s32 v15, v4;
	v19 =	vld [tilespmem:s28+$0x70];
	v17 =	vadd.f32 v17, v9;
	v13 =	vmul.f32 v13, v7  }
0xce: {  	v12 =	vsel vm0, v12, v0;
	v15 =	vsel vm1, v15, v4  }
0xcf: {  	v15 =	vmin.u32 v15, v5;
	[tilespmem:v16+s14+$0x0] =	vst.idx.add.f32.msk $0xffff, v3;
	v16 =	vtrunc.f32 v17;
	v13 =	vadd.f32 v13, v9  }
0xd0: {  	v12 =	vmin.u32 v12, v2;
	v16 =	vcvt.f32.s32 v16;
	v17 =	vmul.f32 v18, v7;
	v18 =	vld [tilespmem:s26+$0xFFFFFF90]  }
0xd1: {  	v10 =	vmin.u32 v10, v5;
	v14 =	vtrunc.f32 v14;
	[tilespmem:v11+s16+$0x0] =	vst.idx.add.f32.msk $0xffff, v3;
	v11 =	vtrunc.f32 v13  }
0xd2: {  	vm1 =	vgt.s32 v16, v4;
	v13 =	vadd.f32 v17, v9;
	v17 =	vmul.f32 v19, v7  }
0xd3: {  	v14 =	vcvt.f32.s32 v14;
	v19 =	vld [tilespmem:s25+$0xFFFFFFB0];
	v11 =	vcvt.f32.s32 v11;
	v16 =	vsel vm1, v16, v4  }
0xd4: {  	[tilespmem:v15+s15+$0x0] =	vst.idx.add.f32.msk $0xffff, v3;
	v15 =	vmin.u32 v16, v5;
	v13 =	vtrunc.f32 v13;
	v17 =	vadd.f32 v17, v9  }
0xd5: {  	[tilespmem:v12+s16+$0x0] =	vst.idx.add.f32.msk $0xffff, v3;
	vm0 =	vgt.s32 v14, v0;
	vm1 =	vgt.s32 v11, v4;
	v13 =	vcvt.f32.s32 v13  }
0xd6: {  	v16 =	vld [tilespmem:s28+$0xFFFFFFE0];
	v18 =	vmul.f32 v18, v7;
	v11 =	vsel vm1, v11, v4;
	v17 =	vtrunc.f32 v17  }
0xd7: {  	v11 =	vmin.u32 v11, v5;
	vm1 =	vgt.s32 v13, v4;
	v12 =	vcvt.f32.s32 v17;
	v17 =	vld [tilespmem:s29+$0xFFFFFFF0];
	s29 =	simm.s32 $0x580  }
0xd8: {  	v18 =	vadd.f32 v18, v9;
	v19 =	vmul.f32 v19, v7;
	v13 =	vsel vm1, v13, v4;
	v20 =	vld [tilespmem:s29+$0x0]  }
0xd9: {  	v14 =	vsel vm0, v14, v0;
	[tilespmem:v15+s15+$0x0] =	vst.idx.add.f32.msk $0xffff, v3;
	v13 =	vmin.u32 v13, v5  }
0xda: {  	v21 =	vld [tilespmem:s29+$0xFFFFFF80];
	vm0 =	vgt.s32 v12, v4;
	v18 =	vtrunc.f32 v18;
	v15 =	vadd.f32 v19, v9  }
0xdb: {  	v19 =	vld [tilespmem:s26+$0x20];
	v16 =	vmul.f32 v16, v6;
	v12 =	vsel vm0, v12, v4;
	v18 =	vcvt.f32.s32 v18  }
0xdc: {  	v14 =	vmin.u32 v14, v2;
	v12 =	vmin.u32 v12, v5;
	v15 =	vtrunc.f32 v15;
	[tilespmem:v11+s17+$0x0] =	vst.idx.add.f32.msk $0xffff, v3  }
0xdd: {  	v16 =	vadd.f32 v16, v8;
	vm0 =	vgt.s32 v18, v4;
	v11 =	vcvt.f32.s32 v15;
	v15 =	vld [tilespmem:s25+$0x40]  }
0xde: {  	v20 =	vmul.f32 v20, v6;
	v18 =	vsel vm0, v18, v4;
	[tilespmem:v13+s15+$0x0] =	vst.idx.add.f32.msk $0xffff, v3  }
0xdf: {  	v16 =	vtrunc.f32 v16;
	v13 =	vmul.f32 v17, v7;
	v17 =	vmin.u32 v18, v5;
	v18 =	vld [tilespmem:s24+$0x60]  }
0xe0: {  	vm0 =	vgt.s32 v11, v4;
	v19 =	vmul.f32 v19, v6;
	v20 =	vadd.f32 v20, v8  }
0xe1: {  	v21 =	vmul.f32 v21, v6;
	v16 =	vcvt.f32.s32 v16;
	v11 =	vsel vm0, v11, v4  }
0xe2: {  	v19 =	vadd.f32 v19, v8;
	v20 =	vtrunc.f32 v20;
	v15 =	vmul.f32 v15, v6  }
0xe3: {  	[tilespmem:v14+s14+$0x0] =	vst.idx.add.f32.msk $0xffff, v3;
	v11 =	vmin.u32 v11, v5;
	vm0 =	vgt.s32 v16, v0;
	v14 =	vcvt.f32.s32 v20  }
0xe4: {  	[tilespmem:v17+s15+$0x0] =	vst.idx.add.f32.msk $0xffff, v3;
	v17 =	vtrunc.f32 v19;
	v15 =	vadd.f32 v15, v8;
	v18 =	vmul.f32 v18, v6  }
0xe5: {  	v16 =	vsel vm0, v16, v0;
	vm1 =	vgt.s32 v14, v0;
	v19 =	vld [tilespmem:s26+$0xFFFFFFA0];
	v17 =	vcvt.f32.s32 v17  }
0xe6: {  	v20 =	vld [tilespmem:s24+$0xFFFFFFD0];
	v14 =	vsel vm1, v14, v0;
	v15 =	vtrunc.f32 v15;
	v18 =	vadd.f32 v18, v8  }
0xe7: {  	[tilespmem:v10+s17+$0x0] =	vst.idx.add.f32.msk $0xffff, v3;
	v14 =	vmin.u32 v14, v2;
	vm0 =	vgt.s32 v17, v0;
	v15 =	vcvt.f32.s32 v15  }
0xe8: {  	v21 =	vadd.f32 v21, v8;
	[tilespmem:v11+s17+$0x0] =	vst.idx.add.f32.msk $0xffff, v3;
	v17 =	vsel vm0, v17, v0;
	v11 =	vtrunc.f32 v18  }
0xe9: {  	v17 =	vmin.u32 v17, v2;
	v18 =	vld [tilespmem:s25+$0xFFFFFFC0];
	vm0 =	vgt.s32 v15, v0;
	v11 =	vcvt.f32.s32 v11  }
0xea: {  	v13 =	vadd.f32 v13, v9;
	v19 =	vmul.f32 v19, v6;
	v15 =	vsel vm0, v15, v0  }
0xeb: {  	v20 =	vmul.f32 v20, v7;
	v15 =	vmin.u32 v15, v2;
	vm0 =	vgt.s32 v11, v0  }
0xec: {  	v21 =	vtrunc.f32 v21;
	[tilespmem:v14+s14+$0x0] =	vst.idx.add.f32.msk $0xffff, v3;
	v14 =	vadd.f32 v19, v8;
	v11 =	vsel vm0, v11, v0  }
0xed: {  	v16 =	vmin.u32 v16, v2;
	v19 =	vcvt.f32.s32 v21;
	v62 =	vld [tilespmem:s29+$0x10];
	v11 =	vmin.u32 v11, v2  }
0xee: {  	v20 =	vadd.f32 v20, v9;
	v14 =	vtrunc.f32 v14;
	[tilespmem:v17+s16+$0x0] =	vst.idx.add.f32.msk $0xffff, v3;
	v17 =	vmul.f32 v18, v6  }
0xef: {  	v13 =	vtrunc.f32 v13;
	vm0 =	vgt.s32 v19, v0;
	v14 =	vcvt.f32.s32 v14;
	v18 =	vld [tilespmem:s26+$0x30]  }
0xf0: {  	v20 =	vtrunc.f32 v20;
	v19 =	vsel vm0, v19, v0;
	v17 =	vadd.f32 v17, v8;
	[tilespmem:v15+s14+$0x0] =	vst.idx.add.f32.msk $0xffff, v3  }
0xf1: {  	v15 =	vcvt.f32.s32 v20;
	v19 =	vmin.u32 v19, v2;
	vm0 =	vgt.s32 v14, v0;
	v20 =	vld [tilespmem:s25+$0x50]  }
0xf2: {  	v21 =	vmul.f32 v62, v7;
	v14 =	vsel vm0, v14, v0;
	v17 =	vtrunc.f32 v17;
	[tilespmem:v11+s16+$0x0] =	vst.idx.add.f32.msk $0xffff, v3  }
0xf3: {  	vm0 =	vgt.s32 v15, v4;
	v11 =	vmin.u32 v14, v2;
	v14 =	vcvt.f32.s32 v17;
	v17 =	vld [tilespmem:s24+$0x70]  }
0xf4: {  	v15 =	vsel vm0, v15, v4;
	v21 =	vadd.f32 v21, v9;
	v18 =	vmul.f32 v18, v7  }
0xf5: {  	[tilespmem:v12+s17+$0x0] =	vst.idx.add.f32.msk $0xffff, v3;
	v10 =	vcvt.f32.s32 v13;
	v15 =	vmin.u32 v15, v5;
	vm0 =	vgt.s32 v14, v0  }
0xf6: {  	[tilespmem:v19+s14+$0x0] =	vst.idx.add.f32.msk $0xffff, v3;
	v13 =	vtrunc.f32 v21;
	v18 =	vadd.f32 v18, v9;
	v19 =	vmul.f32 v20, v7  }
0xf7: {  	v20 =	vld [tilespmem:s29+$0xFFFFFF90];
	v21 =	vcvt.f32.s32 v13;
	v13 =	vsel vm0, v14, v0;
	vm0 =	vgt.s32 v10, v4  }
0xf8: {  	[tilespmem:v11+s16+$0x0] =	vst.idx.add.f32.msk $0xffff, v3;
	v11 =	vtrunc.f32 v18;
	v14 =	vadd.f32 v19, v9;
	v17 =	vmul.f32 v17, v7  }
0xf9: {  	v13 =	vmin.u32 v13, v2;
	vm1 =	vgt.s32 v21, v4;
	v18 =	vld [tilespmem:s26+$0xFFFFFFB0];
	v11 =	vcvt.f32.s32 v11  }
0xfa: {  	[tilespmem:v16+s16+$0x0] =	vst.idx.add.f32.msk $0xffff, v3;
	v12 =	vsel vm1, v21, v4;
	v14 =	vtrunc.f32 v14;
	v19 =	vadd.f32 v17, v9  }
0xfb: {  	[tilespmem:v15+s15+$0x0] =	vst.idx.add.f32.msk $0xffff, v3;
	v17 =	vmin.u32 v12, v5;
	vm1 =	vgt.s32 v11, v4;
	v63 =	vcvt.f32.s32 v14  }
0xfc: {  	v15 =	vmul.f32 v20, v7;
	v14 =	vld [tilespmem:s24+$0xFFFFFFE0];
	v11 =	vsel vm1, v11, v4;
	v12 =	vtrunc.f32 v19  }
0xfd: {  	v16 =	vmin.u32 v11, v5;
	vm1 =	vgt.s32 v63, v4;
	v11 =	vcvt.f32.s32 v12;
	v12 =	vld [tilespmem:s28+$0xFFFFFFF0]  }
0xfe: {  	s30 =	simm.s32 $0xA;
	v19 =	vadd.f32 v15, v9;
	s28 =	simm.s32 $0x680;
	v18 =	vmul.f32 v18, v7;
	v15 =	vsel vm1, v63, v4  }
.LBB2_5:
0xff: {  	v20 =	vld [tilespmem:s28+$0x0];
	s30 =	sadd.s32 $0x2, s30;
	v15 =	vmin.u32 v15, v5;
	vm1 =	vgt.s32 v11, v4;
	v10 =	vsel vm0, v10, v4  }
0x100: {  	p0 =	slt.u32 s30, $0xFE;
	v19 =	vtrunc.f32 v19;
	[tilespmem:v17+s15+$0x0] =	vst.idx.add.f32.msk $0xffff, v3;
	v17 =	vadd.f32 v18, v9;
	v11 =	vsel vm1, v11, v4  }
0x101: {  	v14 =	vmul.f32 v14, v6;
	v18 =	vcvt.f32.s32 v19;
	v19 =	vld [tilespmem:s29+$0x20];
	v11 =	vmin.u32 v11, v5  }
0x102: {  	v10 =	vmin.u32 v10, v5;
	v12 =	vmul.f32 v12, v7;
	v17 =	vtrunc.f32 v17;
	[tilespmem:v16+s17+$0x0] =	vst.idx.add.f32.msk $0xffff, v3  }
0x103: {  	v14 =	vadd.f32 v14, v8;
	vm0 =	vgt.s32 v18, v4;
	v16 =	vcvt.f32.s32 v17;
	v17 =	vld [tilespmem:s26+$0x40]  }
0x104: {  	v20 =	vmul.f32 v20, v6;
	v18 =	vsel vm0, v18, v4;
	[tilespmem:v15+s15+$0x0] =	vst.idx.add.f32.msk $0xffff, v3  }
0x105: {  	v14 =	vtrunc.f32 v14;
	v15 =	vmin.u32 v18, v5;
	vm0 =	vgt.s32 v16, v4;
	v18 =	vld [tilespmem:s25+$0x60]  }
0x106: {  	v14 =	vcvt.f32.s32 v14;
	v20 =	vadd.f32 v20, v8;
	v19 =	vmul.f32 v19, v6;
	[tilespmem:v11+s17+$0x0] =	vst.idx.add.f32.msk $0xffff, v3  }
0x107: {  	v12 =	vadd.f32 v12, v9;
	v16 =	vsel vm0, v16, v4;
	v11 =	vld [tilespmem:s28+$0xFFFFFF80]  }
0x108: {  	v20 =	vtrunc.f32 v20;
	v19 =	vadd.f32 v19, v8;
	v17 =	vmul.f32 v17, v6;
	[tilespmem:v13+s14+$0x0] =	vst.idx.add.f32.msk $0xffff, v3  }
0x109: {  	v16 =	vmin.u32 v16, v5;
	vm0 =	vgt.s32 v14, v0;
	v13 =	vcvt.f32.s32 v20;
	v20 =	vld [tilespmem:s25+$0xFFFFFFD0]  }
0x10a: {  	[tilespmem:v15+s15+$0x0] =	vst.idx.add.f32.msk $0xffff, v3;
	v15 =	vtrunc.f32 v19;
	v17 =	vadd.f32 v17, v8;
	v18 =	vmul.f32 v18, v6  }
0x10b: {  	v14 =	vsel vm0, v14, v0;
	vm1 =	vgt.s32 v13, v0;
	v19 =	vld [tilespmem:s29+$0xFFFFFFA0];
	v15 =	vcvt.f32.s32 v15  }
0x10c: {  	v13 =	vsel vm1, v13, v0;
	v17 =	vtrunc.f32 v17;
	v18 =	vadd.f32 v18, v8;
	[tilespmem:v10+s17+$0x0] =	vst.idx.add.f32.msk $0xffff, v3  }
0x10d: {  	v10 =	vmin.u32 v13, v2;
	vm0 =	vgt.s32 v15, v0;
	v13 =	vcvt.f32.s32 v17  }
0x10e: {  	v11 =	vmul.f32 v11, v6;
	v15 =	vsel vm0, v15, v0;
	[tilespmem:v16+s17+$0x0] =	vst.idx.add.f32.msk $0xffff, v3;
	v16 =	vtrunc.f32 v18  }
0x10f: {  	v15 =	vmin.u32 v15, v2;
	v17 =	vld [tilespmem:s26+$0xFFFFFFC0];
	vm0 =	vgt.s32 v13, v0;
	v16 =	vcvt.f32.s32 v16  }
0x110: {  	v11 =	vadd.f32 v11, v8;
	v18 =	vmul.f32 v19, v6;
	v13 =	vsel vm0, v13, v0  }
0x111: {  	v19 =	vmul.f32 v20, v7;
	v13 =	vmin.u32 v13, v2;
	vm0 =	vgt.s32 v16, v0  }
0x112: {  	v11 =	vtrunc.f32 v11;
	[tilespmem:v10+s14+$0x0] =	vst.idx.add.f32.msk $0xffff, v3;
	v10 =	vadd.f32 v18, v8;
	v16 =	vsel vm0, v16, v0  }
0x113: {  	v11 =	vcvt.f32.s32 v11;
	v19 =	vadd.f32 v19, v9;
	v18 =	vld [tilespmem:s28+$0x10];
	v16 =	vmin.u32 v16, v2  }
0x114: {  	v14 =	vmin.u32 v14, v2;
	v10 =	vtrunc.f32 v10;
	[tilespmem:v15+s16+$0x0] =	vst.idx.add.f32.msk $0xffff, v3;
	v15 =	vmul.f32 v17, v6  }
0x115: {  	vm0 =	vgt.s32 v11, v0;
	v19 =	vtrunc.f32 v19;
	v10 =	vcvt.f32.s32 v10;
	v17 =	vld [tilespmem:s29+$0x30]  }
0x116: {  	v11 =	vsel vm0, v11, v0;
	v15 =	vadd.f32 v15, v8;
	[tilespmem:v13+s14+$0x0] =	vst.idx.add.f32.msk $0xffff, v3;
	v13 =	vcvt.f32.s32 v19  }
0x117: {  	v12 =	vtrunc.f32 v12;
	v11 =	vmin.u32 v11, v2;
	vm0 =	vgt.s32 v10, v0;
	v19 =	vld [tilespmem:s26+$0x50]  }
0x118: {  	v18 =	vmul.f32 v18, v7;
	v10 =	vsel vm0, v10, v0;
	v15 =	vtrunc.f32 v15;
	[tilespmem:v16+s16+$0x0] =	vst.idx.add.f32.msk $0xffff, v3  }
0x119: {  	vm0 =	vgt.s32 v13, v4;
	v16 =	vmin.u32 v10, v2;
	v15 =	vcvt.f32.s32 v15;
	v20 =	vld [tilespmem:s25+$0x70]  }
0x11a: {  	v10 =	vsel vm0, v13, v4;
	v18 =	vadd.f32 v18, v9;
	v17 =	vmul.f32 v17, v7  }
0x11b: {  	v21 =	vmin.u32 v10, v5;
	v10 =	vcvt.f32.s32 v12;
	vm0 =	vgt.s32 v15, v0;
	[tilespmem:v14+s16+$0x0] =	vst.idx.add.f32.msk $0xffff, v3  }
0x11c: {  	[tilespmem:v11+s14+$0x0] =	vst.idx.add.f32.msk $0xffff, v3;
	v11 =	vtrunc.f32 v18;
	v12 =	vadd.f32 v17, v9;
	v13 =	vmul.f32 v19, v7  }
0x11d: {  	v14 =	vsel vm0, v15, v0;
	vm0 =	vgt.s32 v10, v4;
	v18 =	vld [tilespmem:s28+$0xFFFFFF90];
	v11 =	vcvt.f32.s32 v11  }
0x11e: {  	[tilespmem:v16+s16+$0x0] =	vst.idx.add.f32.msk $0xffff, v3;
	v12 =	vtrunc.f32 v12;
	v15 =	vadd.f32 v13, v9;
	v16 =	vmul.f32 v20, v7  }
0x11f: {  	v13 =	vmin.u32 v14, v2;
	vm1 =	vgt.s32 v11, v4;
	v20 =	vld [tilespmem:s29+$0xFFFFFFB0];
	v12 =	vcvt.f32.s32 v12  }
.Ltmp1:
0x120: {  	v11 =	vsel vm1, v11, v4;
	v14 =	vtrunc.f32 v15;
	[tilespmem:v21+s15+$0x0] =	vst.idx.add.f32.msk $0xffff, v3;
	v15 =	vadd.f32 v16, v9;
	(pc) =	sbr.rel @p0 .LBB2_5-.Ltmp1, $4  }
0x121: {  	v17 =	vmin.u32 v11, v5;
	vm1 =	vgt.s32 v12, v4;
	v21 =	vcvt.f32.s32 v14;
	v14 =	vld [tilespmem:s25+$0xFFFFFFE0]  }
0x122: {  	v18 =	vmul.f32 v18, v7;
	v11 =	vsel vm1, v12, v4;
	v15 =	vtrunc.f32 v15;
	v12 =	vld [tilespmem:s24+$0xFFFFFFF0];
	s24 =	smov.u32 s25;
	s25 =	smov.u32 s26;
	s26 =	smov.u32 s29  }
0x123: {  	s29 =	smov.u32 s28;
	v16 =	vmin.u32 v11, v5;
	vm1 =	vgt.s32 v21, v4;
	v11 =	vcvt.f32.s32 v15  }
0x124: {  	s28 =	sadd.s32 $0x100, s28;
	v19 =	vadd.f32 v18, v9;
	v18 =	vmul.f32 v20, v7;
	v15 =	vsel vm1, v21, v4  }
0x125: {  	_ = 	snop  }
0x126: {  	v19 =	vtrunc.f32 v19  }
0x127: {  	v19 =	vcvt.f32.s32 v19;
	_ =	sdelay $0x1  }
0x128: {  	vm1 =	vgt.s32 v19, v4  }
0x129: {  	v19 =	vsel vm1, v19, v4  }
0x12a: {  	[tilespmem:v17+s15+$0x0] =	vst.idx.add.f32.msk $0xffff, v3;
	v19 =	vmin.u32 v19, v5  }
0x12b: {  	v17 =	vld [tilespmem:s29+$0x20];
	_ =	sdelay $0x3  }
0x12c: {  	[tilespmem:v19+s15+$0x0] =	vst.idx.add.f32.msk $0xffff, v3  }
0x12d: {  	v17 =	vmul.f32 v17, v6;
	v19 =	vld [tilespmem:s29+$0xFFFFFFA0];
	_ =	sdelay $0x1  }
0x12e: {  	v17 =	vadd.f32 v17, v8;
	_ =	sdelay $0x1  }
0x12f: {  	v17 =	vtrunc.f32 v17  }
0x130: {  	v17 =	vcvt.f32.s32 v17;
	v19 =	vmul.f32 v19, v6;
	_ =	sdelay $0x1  }
0x131: {  	vm1 =	vgt.s32 v17, v0;
	v19 =	vadd.f32 v19, v8  }
0x132: {  	v17 =	vsel vm1, v17, v0  }
0x133: {  	v17 =	vmin.u32 v17, v2;
	v19 =	vtrunc.f32 v19  }
0x134: {  	v19 =	vcvt.f32.s32 v19;
	_ =	sdelay $0x1  }
0x135: {  	vm1 =	vgt.s32 v19, v0  }
0x136: {  	v19 =	vsel vm1, v19, v0  }
0x137: {  	[tilespmem:v17+s16+$0x0] =	vst.idx.add.f32.msk $0xffff, v3;
	v19 =	vmin.u32 v19, v2  }
0x138: {  	v17 =	vld [tilespmem:s29+$0x30];
	_ =	sdelay $0x3  }
0x139: {  	[tilespmem:v19+s16+$0x0] =	vst.idx.add.f32.msk $0xffff, v3  }
0x13a: {  	v17 =	vmul.f32 v17, v7;
	v19 =	vld [tilespmem:s29+$0xFFFFFFB0];
	_ =	sdelay $0x1  }
0x13b: {  	v17 =	vadd.f32 v17, v9;
	_ =	sdelay $0x1  }
0x13c: {  	v18 =	vadd.f32 v18, v9;
	v17 =	vtrunc.f32 v17  }
0x13d: {  	v17 =	vcvt.f32.s32 v17;
	v19 =	vmul.f32 v19, v7  }
0x13e: {  	v18 =	vtrunc.f32 v18  }
0x13f: {  	v18 =	vcvt.f32.s32 v18;
	vm1 =	vgt.s32 v17, v4;
	v19 =	vadd.f32 v19, v9  }
0x140: {  	[tilespmem:v16+s17+$0x0] =	vst.idx.add.f32.msk $0xffff, v3;
	v16 =	vsel vm1, v17, v4  }
0x141: {  	vm1 =	vgt.s32 v18, v4;
	v16 =	vmin.u32 v16, v5;
	v17 =	vtrunc.f32 v19  }
0x142: {  	v18 =	vsel vm1, v18, v4;
	v19 =	vld [tilespmem:s26+$0x40];
	v17 =	vcvt.f32.s32 v17  }
0x143: {  	v18 =	vmin.u32 v18, v5  }
0x144: {  	vm1 =	vgt.s32 v17, v4  }
0x145: {  	v17 =	vsel vm1, v17, v4  }
0x146: {  	[tilespmem:v16+s17+$0x0] =	vst.idx.add.f32.msk $0xffff, v3;
	v17 =	vmin.u32 v17, v5  }
0x147: {  	v16 =	vld [tilespmem:s29+$0x40];
	v19 =	vmul.f32 v19, v6  }
0x148: {  	[tilespmem:v18+s17+$0x0] =	vst.idx.add.f32.msk $0xffff, v3  }
0x149: {  	v18 =	vld [tilespmem:s26+$0xFFFFFFC0];
	v19 =	vadd.f32 v19, v8;
	_ =	sdelay $0x1  }
0x14a: {  	v19 =	vtrunc.f32 v19;
	[tilespmem:v17+s17+$0x0] =	vst.idx.add.f32.msk $0xffff, v3  }
0x14b: {  	v16 =	vmul.f32 v16, v6;
	v17 =	vcvt.f32.s32 v19;
	v19 =	vld [tilespmem:s29+$0xFFFFFFC0];
	_ =	sdelay $0x1  }
0x14c: {  	v18 =	vmul.f32 v18, v6;
	v16 =	vadd.f32 v16, v8;
	vm1 =	vgt.s32 v17, v0  }
0x14d: {  	v17 =	vsel vm1, v17, v0  }
0x14e: {  	v18 =	vadd.f32 v18, v8;
	v16 =	vtrunc.f32 v16;
	v17 =	vmin.u32 v17, v2  }
0x14f: {  	v16 =	vcvt.f32.s32 v16;
	v19 =	vmul.f32 v19, v6  }
0x150: {  	v18 =	vtrunc.f32 v18  }
0x151: {  	v18 =	vcvt.f32.s32 v18;
	vm1 =	vgt.s32 v16, v0;
	v19 =	vadd.f32 v19, v8  }
0x152: {  	[tilespmem:v13+s14+$0x0] =	vst.idx.add.f32.msk $0xffff, v3;
	v16 =	vsel vm1, v16, v0  }
0x153: {  	vm1 =	vgt.s32 v18, v0;
	v16 =	vmin.u32 v16, v2;
	[tilespmem:v17+s14+$0x0] =	vst.idx.add.f32.msk $0xffff, v3;
	v17 =	vtrunc.f32 v19  }
0x154: {  	v13 =	vsel vm1, v18, v0;
	v19 =	vld [tilespmem:s26+$0x50];
	v17 =	vcvt.f32.s32 v17  }
0x155: {  	v13 =	vmin.u32 v13, v2  }
0x156: {  	vm1 =	vgt.s32 v17, v0  }
0x157: {  	v18 =	vld [tilespmem:s25+$0xFFFFFFD0];
	v17 =	vsel vm1, v17, v0  }
0x158: {  	[tilespmem:v16+s14+$0x0] =	vst.idx.add.f32.msk $0xffff, v3;
	v17 =	vmin.u32 v17, v2  }
0x159: {  	v16 =	vld [tilespmem:s29+$0x50];
	v19 =	vmul.f32 v19, v7  }
0x15a: {  	[tilespmem:v13+s14+$0x0] =	vst.idx.add.f32.msk $0xffff, v3  }
0x15b: {  	v13 =	vld [tilespmem:s26+$0xFFFFFFD0];
	v19 =	vadd.f32 v19, v9  }
0x15c: {  	v18 =	vmul.f32 v18, v7  }
0x15d: {  	v19 =	vtrunc.f32 v19;
	[tilespmem:v17+s14+$0x0] =	vst.idx.add.f32.msk $0xffff, v3  }
0x15e: {  	v15 =	vmin.u32 v15, v5;
	v18 =	vadd.f32 v18, v9;
	v17 =	vcvt.f32.s32 v19;
	v19 =	vld [tilespmem:s29+$0xFFFFFFD0]  }
0x15f: {  	v16 =	vmul.f32 v16, v7  }
0x160: {  	v18 =	vtrunc.f32 v18;
	v13 =	vmul.f32 v13, v7;
	vm1 =	vgt.s32 v17, v4  }
0x161: {  	v18 =	vcvt.f32.s32 v18;
	v16 =	vadd.f32 v16, v9;
	v17 =	vsel vm1, v17, v4  }
0x162: {  	v13 =	vadd.f32 v13, v9;
	v17 =	vmin.u32 v17, v5  }
0x163: {  	[tilespmem:v15+s15+$0x0] =	vst.idx.add.f32.msk $0xffff, v3;
	v15 =	vtrunc.f32 v16;
	vm1 =	vgt.s32 v18, v4;
	v16 =	vmul.f32 v19, v7  }
0x164: {  	v15 =	vcvt.f32.s32 v15;
	v18 =	vsel vm1, v18, v4;
	v19 =	vld [tilespmem:s25+$0x60]  }
0x165: {  	v13 =	vtrunc.f32 v13;
	v18 =	vmin.u32 v18, v5;
	v16 =	vadd.f32 v16, v9  }
0x166: {  	v13 =	vcvt.f32.s32 v13;
	vm1 =	vgt.s32 v15, v4  }
0x167: {  	v15 =	vsel vm1, v15, v4;
	[tilespmem:v17+s15+$0x0] =	vst.idx.add.f32.msk $0xffff, v3;
	v16 =	vtrunc.f32 v16  }
0x168: {  	vm1 =	vgt.s32 v13, v4;
	v15 =	vmin.u32 v15, v5;
	v17 =	vld [tilespmem:s26+$0x60];
	v16 =	vcvt.f32.s32 v16  }
0x169: {  	v14 =	vmul.f32 v14, v6;
	v13 =	vsel vm1, v13, v4;
	v19 =	vmul.f32 v19, v6  }
0x16a: {  	v13 =	vmin.u32 v13, v5;
	[tilespmem:v18+s15+$0x0] =	vst.idx.add.f32.msk $0xffff, v3;
	vm1 =	vgt.s32 v16, v4  }
0x16b: {  	v18 =	vadd.f32 v19, v8;
	v19 =	vld [tilespmem:s25+$0xFFFFFFE0];
	v16 =	vsel vm1, v16, v4  }
0x16c: {  	v14 =	vadd.f32 v14, v8;
	v16 =	vmin.u32 v16, v5  }
0x16d: {  	[tilespmem:v15+s15+$0x0] =	vst.idx.add.f32.msk $0xffff, v3;
	v18 =	vtrunc.f32 v18;
	v17 =	vmul.f32 v17, v6  }
0x16e: {  	v14 =	vtrunc.f32 v14;
	v15 =	vcvt.f32.s32 v18;
	v18 =	vld [tilespmem:s29+$0x60]  }
0x16f: {  	v14 =	vcvt.f32.s32 v14;
	[tilespmem:v13+s15+$0x0] =	vst.idx.add.f32.msk $0xffff, v3;
	v17 =	vadd.f32 v17, v8  }
0x170: {  	vm1 =	vgt.s32 v15, v0;
	v13 =	vmul.f32 v19, v6;
	v19 =	vld [tilespmem:s26+$0xFFFFFFE0]  }
0x171: {  	v15 =	vsel vm1, v15, v0;
	vm1 =	vgt.s32 v14, v0;
	v17 =	vtrunc.f32 v17;
	[tilespmem:v16+s15+$0x0] =	vst.idx.add.f32.msk $0xffff, v3  }
0x172: {  	v15 =	vmin.u32 v15, v2;
	v13 =	vadd.f32 v13, v8;
	v16 =	vcvt.f32.s32 v17;
	v17 =	vld [tilespmem:s29+$0xFFFFFFE0]  }
0x173: {  	v14 =	vsel vm1, v14, v0;
	v18 =	vmul.f32 v18, v6  }
0x174: {  	v14 =	vmin.u32 v14, v2;
	v13 =	vtrunc.f32 v13;
	vm1 =	vgt.s32 v16, v0  }
0x175: {  	v16 =	vsel vm1, v16, v0;
	v19 =	vmul.f32 v19, v6;
	v18 =	vadd.f32 v18, v8  }
0x176: {  	v13 =	vcvt.f32.s32 v13;
	v16 =	vmin.u32 v16, v2  }
0x177: {  	[tilespmem:v15+s16+$0x0] =	vst.idx.add.f32.msk $0xffff, v3;
	v15 =	vadd.f32 v19, v8;
	v18 =	vtrunc.f32 v18;
	v17 =	vmul.f32 v17, v6  }
0x178: {  	v12 =	vmul.f32 v12, v7;
	vm1 =	vgt.s32 v13, v0;
	v19 =	vld [tilespmem:s25+$0x70];
	v18 =	vcvt.f32.s32 v18  }
0x179: {  	v13 =	vsel vm1, v13, v0;
	v15 =	vtrunc.f32 v15;
	v17 =	vadd.f32 v17, v8  }
0x17a: {  	[tilespmem:v14+s16+$0x0] =	vst.idx.add.f32.msk $0xffff, v3;
	v13 =	vmin.u32 v13, v2;
	v14 =	vcvt.f32.s32 v15;
	vm1 =	vgt.s32 v18, v0  }
0x17b: {  	v12 =	vadd.f32 v12, v9;
	v15 =	vld [tilespmem:s24+$0xFFFFFFF0];
	v18 =	vsel vm1, v18, v0;
	v17 =	vtrunc.f32 v17  }
0x17c: {  	[tilespmem:v16+s16+$0x0] =	vst.idx.add.f32.msk $0xffff, v3;
	vm1 =	vgt.s32 v14, v0;
	v16 =	vmin.u32 v18, v2;
	v17 =	vcvt.f32.s32 v17  }
0x17d: {  	v18 =	vmul.f32 v19, v7;
	v19 =	vld [tilespmem:s26+$0x70];
	v14 =	vsel vm1, v14, v0  }
0x17e: {  	v12 =	vtrunc.f32 v12;
	v14 =	vmin.u32 v14, v2;
	vm1 =	vgt.s32 v17, v0  }
0x17f: {  	v12 =	vcvt.f32.s32 v12;
	[tilespmem:v13+s16+$0x0] =	vst.idx.add.f32.msk $0xffff, v3;
	v13 =	vsel vm1, v17, v0  }
0x180: {  	v10 =	vsel vm0, v10, v4;
	v17 =	vld [tilespmem:s25+$0xFFFFFFF0];
	v13 =	vmin.u32 v13, v2  }
0x181: {  	v10 =	vmin.u32 v10, v5;
	vm0 =	vgt.s32 v12, v4;
	[tilespmem:v16+s16+$0x0] =	vst.idx.add.f32.msk $0xffff, v3  }
0x182: {  	v18 =	vadd.f32 v18, v9;
	v15 =	vmul.f32 v15, v7;
	v16 =	vmul.f32 v19, v7;
	v19 =	vld [tilespmem:s29+$0x70]  }
0x183: {  	v12 =	vsel vm0, v12, v4;
	vm1 =	vgt.s32 v11, v4;
	[tilespmem:v14+s16+$0x0] =	vst.idx.add.f32.msk $0xffff, v3  }
0x184: {  	v18 =	vtrunc.f32 v18;
	v14 =	vadd.f32 v15, v9;
	v15 =	vadd.f32 v16, v9;
	v16 =	vld [tilespmem:s26+$0xFFFFFFF0]  }
0x185: {  	v12 =	vmin.u32 v12, v5;
	v11 =	vsel vm1, v11, v4;
	v18 =	vcvt.f32.s32 v18;
	[tilespmem:v13+s16+$0x0] =	vst.idx.add.f32.msk $0xffff, v3  }
0x186: {  	v11 =	vmin.u32 v11, v5;
	v13 =	vtrunc.f32 v14;
	v14 =	vtrunc.f32 v15;
	v15 =	vld [tilespmem:s29+$0xFFFFFFF0]  }
0x187: {  	vm1 =	vgt.s32 v18, v4;
	v17 =	vmul.f32 v17, v7;
	v13 =	vcvt.f32.s32 v13  }
0x188: {  	v18 =	vsel vm1, v18, v4;
	v14 =	vcvt.f32.s32 v14;
	v19 =	vmul.f32 v19, v7  }
0x189: {  	v18 =	vmin.u32 v18, v5;
	v17 =	vadd.f32 v17, v9;
	vm0 =	vgt.s32 v13, v4  }
0x18a: {  	vm1 =	vgt.s32 v14, v4;
	v19 =	vadd.f32 v19, v9;
	v16 =	vmul.f32 v16, v7  }
0x18b: {  	v17 =	vtrunc.f32 v17;
	v13 =	vsel vm0, v13, v4;
	v15 =	vmul.f32 v15, v7  }
0x18c: {  	v14 =	vsel vm1, v14, v4;
	v19 =	vtrunc.f32 v19;
	v16 =	vadd.f32 v16, v9  }
0x18d: {  	[tilespmem:v11+s17+$0x0] =	vst.idx.add.f32.msk $0xffff, v3;
	v11 =	vmin.u32 v13, v5;
	v13 =	vcvt.f32.s32 v17;
	v15 =	vadd.f32 v15, v9  }
0x18e: {  	v14 =	vmin.u32 v14, v5;
	v19 =	vcvt.f32.s32 v19;
	v16 =	vtrunc.f32 v16  }
0x18f: {  	[tilespmem:v10+s17+$0x0] =	vst.idx.add.f32.msk $0xffff, v3;
	vm1 =	vgt.s32 v13, v4;
	v10 =	vcvt.f32.s32 v16;
	v15 =	vtrunc.f32 v15  }
0x190: {  	[tilespmem:v12+s17+$0x0] =	vst.idx.add.f32.msk $0xffff, v3;
	vm0 =	vgt.s32 v19, v4;
	v13 =	vsel vm1, v13, v4;
	v15 =	vcvt.f32.s32 v15  }
0x191: {  	v16 =	vsel vm0, v19, v4;
	v13 =	vmin.u32 v13, v5;
	vm0 =	vgt.s32 v10, v4  }
0x192: {  	v16 =	vmin.u32 v16, v5;
	v10 =	vsel vm0, v10, v4;
	vm0 =	vgt.s32 v15, v4  }
0x193: {  	[tilespmem:v18+s17+$0x0] =	vst.idx.add.f32.msk $0xffff, v3;
	v10 =	vmin.u32 v10, v5;
	v12 =	vsel vm0, v15, v4  }
0x194: {  	[tilespmem:v14+s17+$0x0] =	vst.idx.add.f32.msk $0xffff, v3;
	v12 =	vmin.u32 v12, v5  }
0x195: {  	[tilespmem:v11+s17+$0x0] =	vst.idx.add.f32.msk $0xffff, v3  }
0x196: {  	[tilespmem:v13+s17+$0x0] =	vst.idx.add.f32.msk $0xffff, v3  }
0x197: {  	[tilespmem:v16+s17+$0x0] =	vst.idx.add.f32.msk $0xffff, v3  }
0x198: {  	[tilespmem:v10+s17+$0x0] =	vst.idx.add.f32.msk $0xffff, v3  }
0x199: {  	[tilespmem:v12+s17+$0x0] =	vst.idx.add.f32.msk $0xffff, v3  }
0x19a: {  	_ =	swait.ge [sflag:s18], $0x8000  }
0x19b: {  	p0 =	seq.s32 s22, $0xF;
	s28 =	simm.s32 $0x8080;
	[sflag:s18] =	ssyncset.done $0x0  }
0x19c: {  	s23 =	sadd.s32 @!p0 s23, s6;
	s24 =	simm.s32 @!p0 $0x0;
	[sflag:s18] =	ssyncadd.s32 $0xFFFF8000  }
0x19d: {  	[tilespmem:s24], [sflag:$0x1] =	stream.linear.gather @!p0 [hbm4b:s23+s24], $0x8000, $0x38;
	[tilespmem:$0x12080] =	vst v63  }
0x19e: {  	v10 =	vld [tilespmem:s28+$0x0];
	_ =	sdelay $0x4  }
0x19f: {  	v10 =	vmul.f32 v10, v6;
	_ =	sdelay $0x1  }
0x1a0: {  	v10 =	vadd.f32 v10, v8;
	_ =	sdelay $0x1  }
0x1a1: {  	v10 =	vtrunc.f32 v10  }
0x1a2: {  	v10 =	vcvt.f32.s32 v10;
	_ =	sdelay $0x1  }
0x1a3: {  	vm0 =	vgt.s32 v10, v0  }
0x1a4: {  	v10 =	vsel vm0, v10, v0  }
0x1a5: {  	v10 =	vmin.u32 v10, v2;
	_ =	sdelay $0x1  }
0x1a6: {  	v11 =	vld [tilespmem:s28+$0xFFFFFF80];
	_ =	sdelay $0x2  }
0x1a7: {  	[tilespmem:v10+s14+$0x0] =	vst.idx.add.f32.msk $0xffff, v3  }
0x1a8: {  	v10 =	vld [tilespmem:s28+$0x10]  }
0x1a9: {  	v11 =	vmul.f32 v11, v6;
	_ =	sdelay $0x1  }
0x1aa: {  	v11 =	vadd.f32 v11, v8;
	_ =	sdelay $0x1  }
0x1ab: {  	v11 =	vtrunc.f32 v11;
	v10 =	vmul.f32 v10, v7  }
0x1ac: {  	v11 =	vcvt.f32.s32 v11  }
0x1ad: {  	v10 =	vadd.f32 v10, v9  }
0x1ae: {  	vm0 =	vgt.s32 v11, v0  }
0x1af: {  	v11 =	vsel vm0, v11, v0;
	v10 =	vtrunc.f32 v10  }
0x1b0: {  	v11 =	vmin.u32 v11, v2;
	v10 =	vcvt.f32.s32 v10;
	_ =	sdelay $0x1  }
0x1b1: {  	vm0 =	vgt.s32 v10, v4  }
0x1b2: {  	v10 =	vsel vm0, v10, v4  }
0x1b3: {  	v10 =	vmin.u32 v10, v5  }
0x1b4: {  	[tilespmem:v11+s14+$0x0] =	vst.idx.add.f32.msk $0xffff, v3  }
0x1b5: {  	s31 =	simm.s32 $0x8180;
	v11 =	vld [tilespmem:s28+$0xFFFFFF90]  }
0x1b6: {  	v12 =	vld [tilespmem:s31+$0x0];
	_ =	sdelay $0x1  }
0x1b7: {  	[tilespmem:v10+s15+$0x0] =	vst.idx.add.f32.msk $0xffff, v3  }
0x1b8: {  	v10 =	vld [tilespmem:s28+$0x20]  }
0x1b9: {  	v11 =	vmul.f32 v11, v7  }
0x1ba: {  	v12 =	vmul.f32 v12, v6  }
0x1bb: {  	v11 =	vadd.f32 v11, v9  }
0x1bc: {  	v12 =	vadd.f32 v12, v8  }
0x1bd: {  	v11 =	vtrunc.f32 v11;
	v10 =	vmul.f32 v10, v6  }
0x1be: {  	v12 =	vtrunc.f32 v12;
	v11 =	vcvt.f32.s32 v11  }
0x1bf: {  	v12 =	vcvt.f32.s32 v12;
	v10 =	vadd.f32 v10, v8  }
0x1c0: {  	vm0 =	vgt.s32 v11, v4  }
0x1c1: {  	v11 =	vsel vm0, v11, v4;
	vm0 =	vgt.s32 v12, v0;
	v10 =	vtrunc.f32 v10  }
0x1c2: {  	v13 =	vld [tilespmem:s31+$0xFFFFFF80];
	v11 =	vmin.u32 v11, v5;
	v12 =	vsel vm0, v12, v0;
	v10 =	vcvt.f32.s32 v10  }
0x1c3: {  	v12 =	vmin.u32 v12, v2  }
0x1c4: {  	vm0 =	vgt.s32 v10, v0  }
0x1c5: {  	v10 =	vsel vm0, v10, v0  }
0x1c6: {  	v10 =	vmin.u32 v10, v2  }
0x1c7: {  	[tilespmem:v11+s15+$0x0] =	vst.idx.add.f32.msk $0xffff, v3;
	v11 =	vmul.f32 v13, v6  }
0x1c8: {  	[tilespmem:v12+s14+$0x0] =	vst.idx.add.f32.msk $0xffff, v3  }
0x1c9: {  	v11 =	vadd.f32 v11, v8;
	v12 =	vld [tilespmem:s31+$0x10]  }
0x1ca: {  	v13 =	vld [tilespmem:s28+$0xFFFFFFA0]  }
0x1cb: {  	v11 =	vtrunc.f32 v11;
	[tilespmem:v10+s16+$0x0] =	vst.idx.add.f32.msk $0xffff, v3  }
0x1cc: {  	v10 =	vcvt.f32.s32 v11;
	v11 =	vld [tilespmem:s28+$0x30];
	_ =	sdelay $0x1  }
0x1cd: {  	v12 =	vmul.f32 v12, v7;
	vm0 =	vgt.s32 v10, v0  }
0x1ce: {  	v10 =	vsel vm0, v10, v0  }
0x1cf: {  	v13 =	vmul.f32 v13, v6;
	v12 =	vadd.f32 v12, v9;
	v10 =	vmin.u32 v10, v2  }
0x1d0: {  	v11 =	vmul.f32 v11, v7  }
0x1d1: {  	v13 =	vadd.f32 v13, v8;
	v12 =	vtrunc.f32 v12  }
0x1d2: {  	v12 =	vcvt.f32.s32 v12;
	v11 =	vadd.f32 v11, v9  }
0x1d3: {  	v13 =	vtrunc.f32 v13  }
0x1d4: {  	v13 =	vcvt.f32.s32 v13;
	vm0 =	vgt.s32 v12, v4;
	[tilespmem:v10+s14+$0x0] =	vst.idx.add.f32.msk $0xffff, v3;
	v10 =	vtrunc.f32 v11  }
0x1d5: {  	v12 =	vsel vm0, v12, v4;
	v11 =	vld [tilespmem:s31+$0xFFFFFF90];
	v10 =	vcvt.f32.s32 v10  }
0x1d6: {  	vm0 =	vgt.s32 v13, v0;
	v12 =	vmin.u32 v12, v5  }
0x1d7: {  	v13 =	vsel vm0, v13, v0;
	vm0 =	vgt.s32 v10, v4  }
0x1d8: {  	v13 =	vmin.u32 v13, v2;
	v10 =	vsel vm0, v10, v4  }
0x1d9: {  	s23 =	simm.s32 $0x8280;
	v10 =	vmin.u32 v10, v5  }
0x1da: {  	v14 =	vld [tilespmem:s23+$0x0];
	v11 =	vmul.f32 v11, v7  }
0x1db: {  	[tilespmem:v12+s15+$0x0] =	vst.idx.add.f32.msk $0xffff, v3  }
0x1dc: {  	v12 =	vld [tilespmem:s31+$0x20];
	v11 =	vadd.f32 v11, v9  }
0x1dd: {  	[tilespmem:v13+s16+$0x0] =	vst.idx.add.f32.msk $0xffff, v3  }
0x1de: {  	v11 =	vtrunc.f32 v11;
	[tilespmem:v10+s17+$0x0] =	vst.idx.add.f32.msk $0xffff, v3  }
0x1df: {  	v13 =	vmul.f32 v14, v6;
	v10 =	vcvt.f32.s32 v11;
	v11 =	vld [tilespmem:s28+$0x40]  }
0x1e0: {  	v14 =	vld [tilespmem:s28+$0xFFFFFFB0]  }
0x1e1: {  	v13 =	vadd.f32 v13, v8;
	v12 =	vmul.f32 v12, v6;
	vm0 =	vgt.s32 v10, v4  }
0x1e2: {  	v10 =	vsel vm0, v10, v4  }
0x1e3: {  	v13 =	vtrunc.f32 v13;
	v12 =	vadd.f32 v12, v8;
	v10 =	vmin.u32 v10, v5  }
0x1e4: {  	v13 =	vcvt.f32.s32 v13;
	v11 =	vmul.f32 v11, v6  }
0x1e5: {  	v15 =	vld [tilespmem:s23+$0xFFFFFF80];
	v14 =	vmul.f32 v14, v7;
	v12 =	vtrunc.f32 v12  }
0x1e6: {  	v12 =	vcvt.f32.s32 v12;
	vm0 =	vgt.s32 v13, v0;
	v11 =	vadd.f32 v11, v8  }
0x1e7: {  	v14 =	vadd.f32 v14, v9;
	v13 =	vsel vm0, v13, v0  }
0x1e8: {  	vm0 =	vgt.s32 v12, v0;
	[tilespmem:v10+s15+$0x0] =	vst.idx.add.f32.msk $0xffff, v3;
	v10 =	vtrunc.f32 v11;
	v11 =	vmin.u32 v13, v2  }
0x1e9: {  	v12 =	vsel vm0, v12, v0;
	v13 =	vld [tilespmem:s31+$0xFFFFFFA0];
	v10 =	vcvt.f32.s32 v10  }
0x1ea: {  	v15 =	vmul.f32 v15, v6;
	v14 =	vtrunc.f32 v14;
	v12 =	vmin.u32 v12, v2  }
0x1eb: {  	v14 =	vcvt.f32.s32 v14;
	vm0 =	vgt.s32 v10, v0  }
0x1ec: {  	v15 =	vadd.f32 v15, v8;
	v10 =	vsel vm0, v10, v0  }
0x1ed: {  	vm0 =	vgt.s32 v14, v4;
	v10 =	vmin.u32 v10, v2;
	[tilespmem:v11+s14+$0x0] =	vst.idx.add.f32.msk $0xffff, v3  }
0x1ee: {  	v11 =	vsel vm0, v14, v4;
	v13 =	vmul.f32 v13, v6;
	v14 =	vtrunc.f32 v15;
	v15 =	vld [tilespmem:s23+$0x10]  }
0x1ef: {  	[tilespmem:v12+s16+$0x0] =	vst.idx.add.f32.msk $0xffff, v3;
	v11 =	vmin.u32 v11, v5;
	v14 =	vcvt.f32.s32 v14  }
0x1f0: {  	v12 =	vadd.f32 v13, v8;
	v13 =	vld [tilespmem:s31+$0x30]  }
0x1f1: {  	vm0 =	vgt.s32 v14, v0  }
0x1f2: {  	v12 =	vtrunc.f32 v12;
	v14 =	vsel vm0, v14, v0;
	[tilespmem:v10+s14+$0x0] =	vst.idx.add.f32.msk $0xffff, v3  }
0x1f3: {  	v10 =	vcvt.f32.s32 v12;
	v12 =	vmin.u32 v14, v2;
	v14 =	vld [tilespmem:s28+$0x50];
	v15 =	vmul.f32 v15, v7  }
0x1f4: {  	[tilespmem:v11+s17+$0x0] =	vst.idx.add.f32.msk $0xffff, v3  }
0x1f5: {  	vm0 =	vgt.s32 v10, v0;
	v13 =	vmul.f32 v13, v7;
	v11 =	vadd.f32 v15, v9  }
0x1f6: {  	v15 =	vld [tilespmem:s28+$0xFFFFFFC0];
	v10 =	vsel vm0, v10, v0  }
0x1f7: {  	v10 =	vmin.u32 v10, v2;
	v13 =	vadd.f32 v13, v9;
	v11 =	vtrunc.f32 v11  }
0x1f8: {  	[tilespmem:v12+s14+$0x0] =	vst.idx.add.f32.msk $0xffff, v3;
	v12 =	vmul.f32 v14, v7;
	v11 =	vcvt.f32.s32 v11  }
0x1f9: {  	v14 =	vld [tilespmem:s23+$0xFFFFFF90];
	v13 =	vtrunc.f32 v13  }
0x1fa: {  	v13 =	vcvt.f32.s32 v13;
	v12 =	vadd.f32 v12, v9;
	vm0 =	vgt.s32 v11, v4  }
0x1fb: {  	v15 =	vmul.f32 v15, v6;
	v11 =	vsel vm0, v11, v4  }
0x1fc: {  	[tilespmem:v10+s16+$0x0] =	vst.idx.add.f32.msk $0xffff, v3;
	vm0 =	vgt.s32 v13, v4;
	v10 =	vtrunc.f32 v12;
	v11 =	vmin.u32 v11, v5  }
0x1fd: {  	v12 =	vld [tilespmem:s31+$0xFFFFFFB0];
	v13 =	vsel vm0, v13, v4;
	v10 =	vcvt.f32.s32 v10  }
0x1fe: {  	v15 =	vadd.f32 v15, v8;
	v14 =	vmul.f32 v14, v7;
	v13 =	vmin.u32 v13, v5  }
0x1ff: {  	s24 =	simm.s32 $0x8380;
	vm0 =	vgt.s32 v10, v4  }
0x200: {  	v16 =	vld [tilespmem:s24+$0x0];
	v15 =	vtrunc.f32 v15;
	v14 =	vadd.f32 v14, v9;
	v10 =	vsel vm0, v10, v4  }
0x201: {  	v15 =	vcvt.f32.s32 v15;
	v10 =	vmin.u32 v10, v5;
	[tilespmem:v11+s15+$0x0] =	vst.idx.add.f32.msk $0xffff, v3  }
0x202: {  	v11 =	vmul.f32 v12, v7;
	v12 =	vtrunc.f32 v14;
	v14 =	vld [tilespmem:s23+$0x20]  }
0x203: {  	v12 =	vcvt.f32.s32 v12;
	[tilespmem:v13+s17+$0x0] =	vst.idx.add.f32.msk $0xffff, v3  }
0x204: {  	vm0 =	vgt.s32 v15, v0;
	v11 =	vadd.f32 v11, v9;
	v13 =	vld [tilespmem:s31+$0x40]  }
0x205: {  	v16 =	vmul.f32 v16, v6;
	v15 =	vsel vm0, v15, v0;
	vm0 =	vgt.s32 v12, v4  }
0x206: {  	v15 =	vmin.u32 v15, v2;
	v11 =	vtrunc.f32 v11;
	v12 =	vsel vm0, v12, v4;
	[tilespmem:v10+s15+$0x0] =	vst.idx.add.f32.msk $0xffff, v3  }
0x207: {  	v10 =	vmin.u32 v12, v5;
	v12 =	vadd.f32 v16, v8;
	v14 =	vmul.f32 v14, v6  }
0x208: {  	v11 =	vcvt.f32.s32 v11;
	v16 =	vld [tilespmem:s28+$0x60]  }
0x209: {  	v12 =	vtrunc.f32 v12;
	v13 =	vmul.f32 v13, v6;
	v14 =	vadd.f32 v14, v8  }
0x20a: {  	v17 =	vld [tilespmem:s24+$0xFFFFFF80];
	vm0 =	vgt.s32 v11, v4;
	v12 =	vcvt.f32.s32 v12  }
0x20b: {  	[tilespmem:v15+s14+$0x0] =	vst.idx.add.f32.msk $0xffff, v3;
	v11 =	vsel vm0, v11, v4;
	v13 =	vadd.f32 v13, v8;
	v14 =	vtrunc.f32 v14  }
0x20c: {  	v11 =	vmin.u32 v11, v5;
	[tilespmem:v10+s15+$0x0] =	vst.idx.add.f32.msk $0xffff, v3;
	vm0 =	vgt.s32 v12, v0;
	v10 =	vcvt.f32.s32 v14  }
0x20d: {  	v14 =	vmul.f32 v16, v6;
	v15 =	vld [tilespmem:s23+$0xFFFFFFA0];
	v12 =	vsel vm0, v12, v0;
	v13 =	vtrunc.f32 v13  }
0x20e: {  	v16 =	vld [tilespmem:s28+$0xFFFFFFD0];
	v12 =	vmin.u32 v12, v2;
	v13 =	vcvt.f32.s32 v13;
	vm0 =	vgt.s32 v10, v0  }
0x20f: {  	v17 =	vmul.f32 v17, v6;
	v14 =	vadd.f32 v14, v8;
	v10 =	vsel vm0, v10, v0  }
0x210: {  	vm0 =	vgt.s32 v13, v0;
	v10 =	vmin.u32 v10, v2  }
0x211: {  	[tilespmem:v11+s17+$0x0] =	vst.idx.add.f32.msk $0xffff, v3;
	v11 =	vtrunc.f32 v14;
	v14 =	vadd.f32 v17, v8;
	v13 =	vsel vm0, v13, v0  }
0x212: {  	v17 =	vld [tilespmem:s31+$0xFFFFFFC0];
	v11 =	vcvt.f32.s32 v11;
	v15 =	vmul.f32 v15, v6;
	v13 =	vmin.u32 v13, v2  }
0x213: {  	v16 =	vmul.f32 v16, v7;
	v14 =	vtrunc.f32 v14;
	[tilespmem:v12+s14+$0x0] =	vst.idx.add.f32.msk $0xffff, v3  }
0x214: {  	vm0 =	vgt.s32 v11, v0;
	v12 =	vadd.f32 v15, v8;
	v14 =	vcvt.f32.s32 v14;
	v15 =	vld [tilespmem:s24+$0x10]  }
0x215: {  	v11 =	vsel vm0, v11, v0;
	[tilespmem:v10+s16+$0x0] =	vst.idx.add.f32.msk $0xffff, v3  }
0x216: {  	v10 =	vadd.f32 v16, v9;
	v12 =	vtrunc.f32 v12;
	vm0 =	vgt.s32 v14, v0;
	v16 =	vld [tilespmem:s23+$0x30]  }
0x217: {  	v11 =	vmin.u32 v11, v2;
	v12 =	vcvt.f32.s32 v12;
	v14 =	vsel vm0, v14, v0;
	[tilespmem:v13+s14+$0x0] =	vst.idx.add.f32.msk $0xffff, v3  }
0x218: {  	v13 =	vmin.u32 v14, v2;
	v14 =	vld [tilespmem:s31+$0x50]  }
0x219: {  	v10 =	vtrunc.f32 v10;
	vm0 =	vgt.s32 v12, v0;
	v15 =	vmul.f32 v15, v7  }
0x21a: {  	v10 =	vcvt.f32.s32 v10;
	v12 =	vsel vm0, v12, v0  }
0x21b: {  	v12 =	vmin.u32 v12, v2;
	v15 =	vadd.f32 v15, v9;
	v16 =	vmul.f32 v16, v7  }
0x21c: {  	v17 =	vmul.f32 v17, v6;
	[tilespmem:v11+s16+$0x0] =	vst.idx.add.f32.msk $0xffff, v3;
	vm0 =	vgt.s32 v10, v4  }
0x21d: {  	[tilespmem:v13+s14+$0x0] =	vst.idx.add.f32.msk $0xffff, v3;
	v11 =	vtrunc.f32 v15;
	v14 =	vmul.f32 v14, v7;
	v13 =	vadd.f32 v16, v9  }
0x21e: {  	v10 =	vsel vm0, v10, v4;
	v15 =	vadd.f32 v17, v8;
	v16 =	vld [tilespmem:s24+$0xFFFFFF90];
	v11 =	vcvt.f32.s32 v11  }
0x21f: {  	v17 =	vld [tilespmem:s28+$0x70];
	v10 =	vmin.u32 v10, v5;
	v14 =	vadd.f32 v14, v9;
	v13 =	vtrunc.f32 v13  }
0x220: {  	[tilespmem:v12+s16+$0x0] =	vst.idx.add.f32.msk $0xffff, v3;
	vm0 =	vgt.s32 v11, v4;
	v12 =	vcvt.f32.s32 v13  }
0x221: {  	s25 =	simm.s32 $0x8480;
	v13 =	vtrunc.f32 v15;
	v15 =	vld [tilespmem:s23+$0xFFFFFFB0];
	v11 =	vsel vm0, v11, v4;
	v14 =	vtrunc.f32 v14  }
0x222: {  	v18 =	vld [tilespmem:s25+$0x0];
	v11 =	vmin.u32 v11, v5;
	v14 =	vcvt.f32.s32 v14;
	vm0 =	vgt.s32 v12, v4  }
0x223: {  	v16 =	vmul.f32 v16, v7;
	v12 =	vsel vm0, v12, v4  }
0x224: {  	v13 =	vcvt.f32.s32 v13;
	[tilespmem:v10+s15+$0x0] =	vst.idx.add.f32.msk $0xffff, v3;
	vm0 =	vgt.s32 v14, v4;
	v10 =	vmin.u32 v12, v5  }
0x225: {  	v19 =	vld [tilespmem:s25+$0xFFFFFF80];
	v17 =	vmul.f32 v17, v7;
	v16 =	vadd.f32 v16, v9;
	v14 =	vsel vm0, v14, v4  }
0x226: {  	vm1 =	vgt.s32 v13, v0;
	v12 =	vld [tilespmem:s28+$0xFFFFFFE0];
	v15 =	vmul.f32 v15, v7;
	v14 =	vmin.u32 v14, v5  }
0x227: {  	v18 =	vmul.f32 v18, v6;
	v13 =	vsel vm1, v13, v0;
	v16 =	vtrunc.f32 v16;
	[tilespmem:v11+s15+$0x0] =	vst.idx.add.f32.msk $0xffff, v3  }
0x228: {  	v11 =	vadd.f32 v17, v9;
	v15 =	vadd.f32 v15, v9;
	v16 =	vcvt.f32.s32 v16;
	v17 =	vld [tilespmem:s24+$0x20]  }
0x229: {  	v18 =	vadd.f32 v18, v8;
	v13 =	vmin.u32 v13, v2;
	[tilespmem:v10+s17+$0x0] =	vst.idx.add.f32.msk $0xffff, v3  }
0x22a: {  	v10 =	vtrunc.f32 v11;
	v11 =	vtrunc.f32 v15;
	vm0 =	vgt.s32 v16, v4;
	v15 =	vld [tilespmem:s23+$0x40]  }
0x22b: {  	v16 =	vsel vm0, v16, v4;
	[tilespmem:v14+s15+$0x0] =	vst.idx.add.f32.msk $0xffff, v3  }
0x22c: {  	v19 =	vmul.f32 v19, v6;
	v18 =	vtrunc.f32 v18;
	v14 =	vmin.u32 v16, v5;
	v16 =	vld [tilespmem:s31+$0x60]  }
0x22d: {  	v11 =	vcvt.f32.s32 v11;
	v17 =	vmul.f32 v17, v6  }
0x22e: {  	v12 =	vmul.f32 v12, v6;
	v10 =	vcvt.f32.s32 v10  }
0x22f: {  	[tilespmem:v13+s14+$0x0] =	vst.idx.add.f32.msk $0xffff, v3;
	v13 =	vcvt.f32.s32 v18;
	vm1 =	vgt.s32 v11, v4;
	v17 =	vadd.f32 v17, v8  }
0x230: {  	v12 =	vadd.f32 v12, v8;
	v11 =	vsel vm1, v11, v4;
	v15 =	vmul.f32 v15, v6  }
0x231: {  	v11 =	vmin.u32 v11, v5;
	[tilespmem:v14+s15+$0x0] =	vst.idx.add.f32.msk $0xffff, v3;
	v14 =	vtrunc.f32 v17;
	v16 =	vmul.f32 v16, v6  }
0x232: {  	vm1 =	vgt.s32 v13, v0;
	v15 =	vadd.f32 v15, v8;
	v17 =	vld [tilespmem:s24+$0xFFFFFFA0];
	v14 =	vcvt.f32.s32 v14  }
0x233: {  	vm0 =	vgt.s32 v10, v4;
	v13 =	vsel vm1, v13, v0;
	v16 =	vadd.f32 v16, v8  }
0x234: {  	v13 =	vmin.u32 v13, v2;
	v15 =	vtrunc.f32 v15;
	vm1 =	vgt.s32 v14, v0  }
0x235: {  	v18 =	vld [tilespmem:s31+$0xFFFFFFD0];
	v15 =	vcvt.f32.s32 v15;
	v14 =	vsel vm1, v14, v0;
	v16 =	vtrunc.f32 v16  }
0x236: {  	v12 =	vtrunc.f32 v12;
	[tilespmem:v11+s17+$0x0] =	vst.idx.add.f32.msk $0xffff, v3;
	v11 =	vmin.u32 v14, v2;
	v14 =	vcvt.f32.s32 v16  }
0x237: {  	v16 =	vadd.f32 v19, v8;
	vm1 =	vgt.s32 v15, v0;
	v17 =	vmul.f32 v17, v6  }
0x238: {  	v10 =	vsel vm0, v10, v4;
	v19 =	vld [tilespmem:s23+$0xFFFFFFC0];
	v15 =	vsel vm1, v15, v0;
	vm1 =	vgt.s32 v14, v0  }
0x239: {  	[tilespmem:v13+s14+$0x0] =	vst.idx.add.f32.msk $0xffff, v3;
	v16 =	vtrunc.f32 v16;
	v15 =	vmin.u32 v15, v2;
	v13 =	vadd.f32 v17, v8  }
0x23a: {  	v18 =	vmul.f32 v18, v7;
	v14 =	vsel vm1, v14, v0;
	v16 =	vcvt.f32.s32 v16;
	v17 =	vld [tilespmem:s25+$0x10]  }
0x23b: {  	v12 =	vcvt.f32.s32 v12;
	v14 =	vmin.u32 v14, v2;
	v13 =	vtrunc.f32 v13;
	[tilespmem:v11+s16+$0x0] =	vst.idx.add.f32.msk $0xffff, v3  }
0x23c: {  	v18 =	vadd.f32 v18, v9;
	vm1 =	vgt.s32 v16, v0;
	v11 =	vcvt.f32.s32 v13;
	v13 =	vld [tilespmem:s24+$0x30]  }
0x23d: {  	vm0 =	vgt.s32 v12, v0;
	v19 =	vmul.f32 v19, v6;
	v16 =	vsel vm1, v16, v0  }
0x23e: {  	v18 =	vtrunc.f32 v18;
	v16 =	vmin.u32 v16, v2;
	[tilespmem:v15+s14+$0x0] =	vst.idx.add.f32.msk $0xffff, v3;
	vm1 =	vgt.s32 v11, v0  }
0x23f: {  	v15 =	vcvt.f32.s32 v18;
	v17 =	vmul.f32 v17, v7;
	v18 =	vld [tilespmem:s23+$0x50];
	v11 =	vsel vm1, v11, v0  }
0x240: {  	[tilespmem:v14+s16+$0x0] =	vst.idx.add.f32.msk $0xffff, v3;
	v14 =	vadd.f32 v19, v8;
	v11 =	vmin.u32 v11, v2  }
0x241: {  	vm1 =	vgt.s32 v15, v4;
	v19 =	vld [tilespmem:s31+$0x70];
	v17 =	vadd.f32 v17, v9;
	v13 =	vmul.f32 v13, v7  }
0x242: {  	v12 =	vsel vm0, v12, v0;
	v15 =	vsel vm1, v15, v4  }
0x243: {  	v15 =	vmin.u32 v15, v5;
	[tilespmem:v16+s14+$0x0] =	vst.idx.add.f32.msk $0xffff, v3;
	v16 =	vtrunc.f32 v17;
	v13 =	vadd.f32 v13, v9  }
0x244: {  	v12 =	vmin.u32 v12, v2;
	v16 =	vcvt.f32.s32 v16;
	v17 =	vmul.f32 v18, v7;
	v18 =	vld [tilespmem:s25+$0xFFFFFF90]  }
0x245: {  	v10 =	vmin.u32 v10, v5;
	v14 =	vtrunc.f32 v14;
	[tilespmem:v11+s16+$0x0] =	vst.idx.add.f32.msk $0xffff, v3;
	v11 =	vtrunc.f32 v13  }
0x246: {  	vm1 =	vgt.s32 v16, v4;
	v13 =	vadd.f32 v17, v9;
	v17 =	vmul.f32 v19, v7  }
0x247: {  	v14 =	vcvt.f32.s32 v14;
	v19 =	vld [tilespmem:s24+$0xFFFFFFB0];
	v11 =	vcvt.f32.s32 v11;
	v16 =	vsel vm1, v16, v4  }
0x248: {  	[tilespmem:v15+s15+$0x0] =	vst.idx.add.f32.msk $0xffff, v3;
	v15 =	vmin.u32 v16, v5;
	v13 =	vtrunc.f32 v13;
	v17 =	vadd.f32 v17, v9  }
0x249: {  	[tilespmem:v12+s16+$0x0] =	vst.idx.add.f32.msk $0xffff, v3;
	vm0 =	vgt.s32 v14, v0;
	vm1 =	vgt.s32 v11, v4;
	v13 =	vcvt.f32.s32 v13  }
0x24a: {  	v16 =	vld [tilespmem:s31+$0xFFFFFFE0];
	v18 =	vmul.f32 v18, v7;
	v11 =	vsel vm1, v11, v4;
	v17 =	vtrunc.f32 v17  }
0x24b: {  	v11 =	vmin.u32 v11, v5;
	vm1 =	vgt.s32 v13, v4;
	v12 =	vcvt.f32.s32 v17;
	v17 =	vld [tilespmem:s28+$0xFFFFFFF0];
	s28 =	simm.s32 $0x8580  }
0x24c: {  	v18 =	vadd.f32 v18, v9;
	v19 =	vmul.f32 v19, v7;
	v13 =	vsel vm1, v13, v4;
	v20 =	vld [tilespmem:s28+$0x0]  }
0x24d: {  	v14 =	vsel vm0, v14, v0;
	[tilespmem:v15+s15+$0x0] =	vst.idx.add.f32.msk $0xffff, v3;
	v13 =	vmin.u32 v13, v5  }
0x24e: {  	v21 =	vld [tilespmem:s28+$0xFFFFFF80];
	vm0 =	vgt.s32 v12, v4;
	v18 =	vtrunc.f32 v18;
	v15 =	vadd.f32 v19, v9  }
0x24f: {  	v19 =	vld [tilespmem:s25+$0x20];
	v16 =	vmul.f32 v16, v6;
	v12 =	vsel vm0, v12, v4;
	v18 =	vcvt.f32.s32 v18  }
0x250: {  	v14 =	vmin.u32 v14, v2;
	v12 =	vmin.u32 v12, v5;
	v15 =	vtrunc.f32 v15;
	[tilespmem:v11+s17+$0x0] =	vst.idx.add.f32.msk $0xffff, v3  }
0x251: {  	v16 =	vadd.f32 v16, v8;
	vm0 =	vgt.s32 v18, v4;
	v11 =	vcvt.f32.s32 v15;
	v15 =	vld [tilespmem:s24+$0x40]  }
0x252: {  	v20 =	vmul.f32 v20, v6;
	v18 =	vsel vm0, v18, v4;
	[tilespmem:v13+s15+$0x0] =	vst.idx.add.f32.msk $0xffff, v3  }
0x253: {  	v16 =	vtrunc.f32 v16;
	v13 =	vmul.f32 v17, v7;
	v17 =	vmin.u32 v18, v5;
	v18 =	vld [tilespmem:s23+$0x60]  }
0x254: {  	vm0 =	vgt.s32 v11, v4;
	v19 =	vmul.f32 v19, v6;
	v20 =	vadd.f32 v20, v8  }
0x255: {  	v21 =	vmul.f32 v21, v6;
	v16 =	vcvt.f32.s32 v16;
	v11 =	vsel vm0, v11, v4  }
0x256: {  	v19 =	vadd.f32 v19, v8;
	v20 =	vtrunc.f32 v20;
	v15 =	vmul.f32 v15, v6  }
0x257: {  	[tilespmem:v14+s14+$0x0] =	vst.idx.add.f32.msk $0xffff, v3;
	v11 =	vmin.u32 v11, v5;
	vm0 =	vgt.s32 v16, v0;
	v14 =	vcvt.f32.s32 v20  }
0x258: {  	[tilespmem:v17+s15+$0x0] =	vst.idx.add.f32.msk $0xffff, v3;
	v17 =	vtrunc.f32 v19;
	v15 =	vadd.f32 v15, v8;
	v18 =	vmul.f32 v18, v6  }
0x259: {  	v16 =	vsel vm0, v16, v0;
	vm1 =	vgt.s32 v14, v0;
	v19 =	vld [tilespmem:s25+$0xFFFFFFA0];
	v17 =	vcvt.f32.s32 v17  }
0x25a: {  	v20 =	vld [tilespmem:s23+$0xFFFFFFD0];
	v14 =	vsel vm1, v14, v0;
	v15 =	vtrunc.f32 v15;
	v18 =	vadd.f32 v18, v8  }
0x25b: {  	[tilespmem:v10+s17+$0x0] =	vst.idx.add.f32.msk $0xffff, v3;
	v14 =	vmin.u32 v14, v2;
	vm0 =	vgt.s32 v17, v0;
	v15 =	vcvt.f32.s32 v15  }
0x25c: {  	v21 =	vadd.f32 v21, v8;
	[tilespmem:v11+s17+$0x0] =	vst.idx.add.f32.msk $0xffff, v3;
	v17 =	vsel vm0, v17, v0;
	v11 =	vtrunc.f32 v18  }
0x25d: {  	v17 =	vmin.u32 v17, v2;
	v18 =	vld [tilespmem:s24+$0xFFFFFFC0];
	vm0 =	vgt.s32 v15, v0;
	v11 =	vcvt.f32.s32 v11  }
0x25e: {  	v13 =	vadd.f32 v13, v9;
	v19 =	vmul.f32 v19, v6;
	v15 =	vsel vm0, v15, v0  }
0x25f: {  	v20 =	vmul.f32 v20, v7;
	v15 =	vmin.u32 v15, v2;
	vm0 =	vgt.s32 v11, v0  }
0x260: {  	v21 =	vtrunc.f32 v21;
	[tilespmem:v14+s14+$0x0] =	vst.idx.add.f32.msk $0xffff, v3;
	v14 =	vadd.f32 v19, v8;
	v11 =	vsel vm0, v11, v0  }
0x261: {  	v16 =	vmin.u32 v16, v2;
	v19 =	vcvt.f32.s32 v21;
	v62 =	vld [tilespmem:s28+$0x10];
	v11 =	vmin.u32 v11, v2  }
0x262: {  	v20 =	vadd.f32 v20, v9;
	v14 =	vtrunc.f32 v14;
	[tilespmem:v17+s16+$0x0] =	vst.idx.add.f32.msk $0xffff, v3;
	v17 =	vmul.f32 v18, v6  }
0x263: {  	v13 =	vtrunc.f32 v13;
	vm0 =	vgt.s32 v19, v0;
	v14 =	vcvt.f32.s32 v14;
	v18 =	vld [tilespmem:s25+$0x30]  }
0x264: {  	v20 =	vtrunc.f32 v20;
	v19 =	vsel vm0, v19, v0;
	v17 =	vadd.f32 v17, v8;
	[tilespmem:v15+s14+$0x0] =	vst.idx.add.f32.msk $0xffff, v3  }
0x265: {  	v15 =	vcvt.f32.s32 v20;
	v19 =	vmin.u32 v19, v2;
	vm0 =	vgt.s32 v14, v0;
	v20 =	vld [tilespmem:s24+$0x50]  }
0x266: {  	v21 =	vmul.f32 v62, v7;
	v14 =	vsel vm0, v14, v0;
	v17 =	vtrunc.f32 v17;
	[tilespmem:v11+s16+$0x0] =	vst.idx.add.f32.msk $0xffff, v3  }
0x267: {  	vm0 =	vgt.s32 v15, v4;
	v11 =	vmin.u32 v14, v2;
	v14 =	vcvt.f32.s32 v17;
	v17 =	vld [tilespmem:s23+$0x70]  }
0x268: {  	v15 =	vsel vm0, v15, v4;
	v21 =	vadd.f32 v21, v9;
	v18 =	vmul.f32 v18, v7  }
0x269: {  	[tilespmem:v12+s17+$0x0] =	vst.idx.add.f32.msk $0xffff, v3;
	v10 =	vcvt.f32.s32 v13;
	v15 =	vmin.u32 v15, v5;
	vm0 =	vgt.s32 v14, v0  }
0x26a: {  	[tilespmem:v19+s14+$0x0] =	vst.idx.add.f32.msk $0xffff, v3;
	v13 =	vtrunc.f32 v21;
	v18 =	vadd.f32 v18, v9;
	v19 =	vmul.f32 v20, v7  }
0x26b: {  	v20 =	vld [tilespmem:s28+$0xFFFFFF90];
	v21 =	vcvt.f32.s32 v13;
	v13 =	vsel vm0, v14, v0;
	vm0 =	vgt.s32 v10, v4  }
0x26c: {  	[tilespmem:v11+s16+$0x0] =	vst.idx.add.f32.msk $0xffff, v3;
	v11 =	vtrunc.f32 v18;
	v14 =	vadd.f32 v19, v9;
	v17 =	vmul.f32 v17, v7  }
0x26d: {  	v13 =	vmin.u32 v13, v2;
	vm1 =	vgt.s32 v21, v4;
	v18 =	vld [tilespmem:s25+$0xFFFFFFB0];
	v11 =	vcvt.f32.s32 v11  }
0x26e: {  	[tilespmem:v16+s16+$0x0] =	vst.idx.add.f32.msk $0xffff, v3;
	v12 =	vsel vm1, v21, v4;
	v14 =	vtrunc.f32 v14;
	v19 =	vadd.f32 v17, v9  }
0x26f: {  	[tilespmem:v15+s15+$0x0] =	vst.idx.add.f32.msk $0xffff, v3;
	v17 =	vmin.u32 v12, v5;
	vm1 =	vgt.s32 v11, v4;
	v63 =	vcvt.f32.s32 v14  }
0x270: {  	v15 =	vmul.f32 v20, v7;
	v14 =	vld [tilespmem:s23+$0xFFFFFFE0];
	v11 =	vsel vm1, v11, v4;
	v12 =	vtrunc.f32 v19  }
0x271: {  	v16 =	vmin.u32 v11, v5;
	vm1 =	vgt.s32 v63, v4;
	v11 =	vcvt.f32.s32 v12;
	v12 =	vld [tilespmem:s31+$0xFFFFFFF0]  }
0x272: {  	s26 =	simm.s32 $0x8680;
	s29 =	simm.s32 $0xA;
	v19 =	vadd.f32 v15, v9;
	v18 =	vmul.f32 v18, v7;
	v15 =	vsel vm1, v63, v4  }
.LBB2_7:
0x273: {  	v20 =	vld [tilespmem:s26+$0x0];
	s29 =	sadd.s32 $0x2, s29;
	v15 =	vmin.u32 v15, v5;
	vm1 =	vgt.s32 v11, v4;
	v10 =	vsel vm0, v10, v4  }
0x274: {  	p0 =	slt.u32 s29, $0xFE;
	v19 =	vtrunc.f32 v19;
	[tilespmem:v17+s15+$0x0] =	vst.idx.add.f32.msk $0xffff, v3;
	v17 =	vadd.f32 v18, v9;
	v11 =	vsel vm1, v11, v4  }
0x275: {  	v14 =	vmul.f32 v14, v6;
	v18 =	vcvt.f32.s32 v19;
	v19 =	vld [tilespmem:s28+$0x20];
	v11 =	vmin.u32 v11, v5  }
0x276: {  	v10 =	vmin.u32 v10, v5;
	v12 =	vmul.f32 v12, v7;
	v17 =	vtrunc.f32 v17;
	[tilespmem:v16+s17+$0x0] =	vst.idx.add.f32.msk $0xffff, v3  }
0x277: {  	v14 =	vadd.f32 v14, v8;
	vm0 =	vgt.s32 v18, v4;
	v16 =	vcvt.f32.s32 v17;
	v17 =	vld [tilespmem:s25+$0x40]  }
0x278: {  	v20 =	vmul.f32 v20, v6;
	v18 =	vsel vm0, v18, v4;
	[tilespmem:v15+s15+$0x0] =	vst.idx.add.f32.msk $0xffff, v3  }
0x279: {  	v14 =	vtrunc.f32 v14;
	v15 =	vmin.u32 v18, v5;
	vm0 =	vgt.s32 v16, v4;
	v18 =	vld [tilespmem:s24+$0x60]  }
0x27a: {  	v14 =	vcvt.f32.s32 v14;
	v20 =	vadd.f32 v20, v8;
	v19 =	vmul.f32 v19, v6;
	[tilespmem:v11+s17+$0x0] =	vst.idx.add.f32.msk $0xffff, v3  }
0x27b: {  	v12 =	vadd.f32 v12, v9;
	v16 =	vsel vm0, v16, v4;
	v11 =	vld [tilespmem:s26+$0xFFFFFF80]  }
0x27c: {  	v20 =	vtrunc.f32 v20;
	v19 =	vadd.f32 v19, v8;
	v17 =	vmul.f32 v17, v6;
	[tilespmem:v13+s14+$0x0] =	vst.idx.add.f32.msk $0xffff, v3  }
0x27d: {  	v16 =	vmin.u32 v16, v5;
	vm0 =	vgt.s32 v14, v0;
	v13 =	vcvt.f32.s32 v20;
	v20 =	vld [tilespmem:s24+$0xFFFFFFD0]  }
0x27e: {  	[tilespmem:v15+s15+$0x0] =	vst.idx.add.f32.msk $0xffff, v3;
	v15 =	vtrunc.f32 v19;
	v17 =	vadd.f32 v17, v8;
	v18 =	vmul.f32 v18, v6  }
0x27f: {  	v14 =	vsel vm0, v14, v0;
	vm1 =	vgt.s32 v13, v0;
	v19 =	vld [tilespmem:s28+$0xFFFFFFA0];
	v15 =	vcvt.f32.s32 v15  }
0x280: {  	v13 =	vsel vm1, v13, v0;
	v17 =	vtrunc.f32 v17;
	v18 =	vadd.f32 v18, v8;
	[tilespmem:v10+s17+$0x0] =	vst.idx.add.f32.msk $0xffff, v3  }
0x281: {  	v10 =	vmin.u32 v13, v2;
	vm0 =	vgt.s32 v15, v0;
	v13 =	vcvt.f32.s32 v17  }
0x282: {  	v11 =	vmul.f32 v11, v6;
	v15 =	vsel vm0, v15, v0;
	[tilespmem:v16+s17+$0x0] =	vst.idx.add.f32.msk $0xffff, v3;
	v16 =	vtrunc.f32 v18  }
0x283: {  	v15 =	vmin.u32 v15, v2;
	v17 =	vld [tilespmem:s25+$0xFFFFFFC0];
	vm0 =	vgt.s32 v13, v0;
	v16 =	vcvt.f32.s32 v16  }
0x284: {  	v11 =	vadd.f32 v11, v8;
	v18 =	vmul.f32 v19, v6;
	v13 =	vsel vm0, v13, v0  }
0x285: {  	v19 =	vmul.f32 v20, v7;
	v13 =	vmin.u32 v13, v2;
	vm0 =	vgt.s32 v16, v0  }
0x286: {  	v11 =	vtrunc.f32 v11;
	[tilespmem:v10+s14+$0x0] =	vst.idx.add.f32.msk $0xffff, v3;
	v10 =	vadd.f32 v18, v8;
	v16 =	vsel vm0, v16, v0  }
0x287: {  	v11 =	vcvt.f32.s32 v11;
	v19 =	vadd.f32 v19, v9;
	v18 =	vld [tilespmem:s26+$0x10];
	v16 =	vmin.u32 v16, v2  }
0x288: {  	v14 =	vmin.u32 v14, v2;
	v10 =	vtrunc.f32 v10;
	[tilespmem:v15+s16+$0x0] =	vst.idx.add.f32.msk $0xffff, v3;
	v15 =	vmul.f32 v17, v6  }
0x289: {  	vm0 =	vgt.s32 v11, v0;
	v19 =	vtrunc.f32 v19;
	v10 =	vcvt.f32.s32 v10;
	v17 =	vld [tilespmem:s28+$0x30]  }
0x28a: {  	v11 =	vsel vm0, v11, v0;
	v15 =	vadd.f32 v15, v8;
	[tilespmem:v13+s14+$0x0] =	vst.idx.add.f32.msk $0xffff, v3;
	v13 =	vcvt.f32.s32 v19  }
0x28b: {  	v12 =	vtrunc.f32 v12;
	v11 =	vmin.u32 v11, v2;
	vm0 =	vgt.s32 v10, v0;
	v19 =	vld [tilespmem:s25+$0x50]  }
0x28c: {  	v18 =	vmul.f32 v18, v7;
	v10 =	vsel vm0, v10, v0;
	v15 =	vtrunc.f32 v15;
	[tilespmem:v16+s16+$0x0] =	vst.idx.add.f32.msk $0xffff, v3  }
0x28d: {  	vm0 =	vgt.s32 v13, v4;
	v16 =	vmin.u32 v10, v2;
	v15 =	vcvt.f32.s32 v15;
	v20 =	vld [tilespmem:s24+$0x70]  }
0x28e: {  	v10 =	vsel vm0, v13, v4;
	v18 =	vadd.f32 v18, v9;
	v17 =	vmul.f32 v17, v7  }
0x28f: {  	v21 =	vmin.u32 v10, v5;
	v10 =	vcvt.f32.s32 v12;
	vm0 =	vgt.s32 v15, v0;
	[tilespmem:v14+s16+$0x0] =	vst.idx.add.f32.msk $0xffff, v3  }
0x290: {  	[tilespmem:v11+s14+$0x0] =	vst.idx.add.f32.msk $0xffff, v3;
	v11 =	vtrunc.f32 v18;
	v12 =	vadd.f32 v17, v9;
	v13 =	vmul.f32 v19, v7  }
0x291: {  	v14 =	vsel vm0, v15, v0;
	vm0 =	vgt.s32 v10, v4;
	v18 =	vld [tilespmem:s26+$0xFFFFFF90];
	v11 =	vcvt.f32.s32 v11  }
0x292: {  	[tilespmem:v16+s16+$0x0] =	vst.idx.add.f32.msk $0xffff, v3;
	v12 =	vtrunc.f32 v12;
	v15 =	vadd.f32 v13, v9;
	v16 =	vmul.f32 v20, v7  }
0x293: {  	v13 =	vmin.u32 v14, v2;
	vm1 =	vgt.s32 v11, v4;
	v20 =	vld [tilespmem:s28+$0xFFFFFFB0];
	v12 =	vcvt.f32.s32 v12  }
.Ltmp2:
0x294: {  	v11 =	vsel vm1, v11, v4;
	v14 =	vtrunc.f32 v15;
	[tilespmem:v21+s15+$0x0] =	vst.idx.add.f32.msk $0xffff, v3;
	v15 =	vadd.f32 v16, v9;
	(pc) =	sbr.rel @p0 .LBB2_7-.Ltmp2, $4  }
0x295: {  	v17 =	vmin.u32 v11, v5;
	vm1 =	vgt.s32 v12, v4;
	v21 =	vcvt.f32.s32 v14;
	v14 =	vld [tilespmem:s24+$0xFFFFFFE0]  }
0x296: {  	v18 =	vmul.f32 v18, v7;
	v11 =	vsel vm1, v12, v4;
	v15 =	vtrunc.f32 v15;
	v12 =	vld [tilespmem:s23+$0xFFFFFFF0];
	s23 =	smov.u32 s24;
	s24 =	smov.u32 s25;
	s25 =	smov.u32 s28  }
0x297: {  	s28 =	smov.u32 s26;
	v16 =	vmin.u32 v11, v5;
	vm1 =	vgt.s32 v21, v4;
	v11 =	vcvt.f32.s32 v15  }
0x298: {  	s26 =	sadd.s32 $0x100, s26;
	v19 =	vadd.f32 v18, v9;
	v18 =	vmul.f32 v20, v7;
	v15 =	vsel vm1, v21, v4  }
0x299: {  	_ = 	snop  }
0x29a: {  	v19 =	vtrunc.f32 v19  }
0x29b: {  	v19 =	vcvt.f32.s32 v19;
	_ =	sdelay $0x1  }
0x29c: {  	vm1 =	vgt.s32 v19, v4  }
0x29d: {  	v19 =	vsel vm1, v19, v4  }
0x29e: {  	v19 =	vmin.u32 v19, v5  }
0x29f: {  	[tilespmem:v17+s15+$0x0] =	vst.idx.add.f32.msk $0xffff, v3  }
0x2a0: {  	v17 =	vld [tilespmem:s28+$0x20];
	_ =	sdelay $0x2  }
0x2a1: {  	[tilespmem:v19+s15+$0x0] =	vst.idx.add.f32.msk $0xffff, v3  }
0x2a2: {  	v19 =	vld [tilespmem:s28+$0xFFFFFFA0]  }
0x2a3: {  	v17 =	vmul.f32 v17, v6;
	_ =	sdelay $0x1  }
0x2a4: {  	v17 =	vadd.f32 v17, v8;
	_ =	sdelay $0x1  }
0x2a5: {  	v17 =	vtrunc.f32 v17;
	v19 =	vmul.f32 v19, v6  }
0x2a6: {  	v17 =	vcvt.f32.s32 v17  }
0x2a7: {  	v19 =	vadd.f32 v19, v8  }
0x2a8: {  	vm10 =	vgt.s32 v17, v0  }
0x2a9: {  	v17 =	vsel vm10, v17, v0;
	v19 =	vtrunc.f32 v19  }
0x2aa: {  	v17 =	vmin.u32 v17, v2;
	v19 =	vcvt.f32.s32 v19;
	_ =	sdelay $0x1  }
0x2ab: {  	vm11 =	vgt.s32 v19, v0  }
0x2ac: {  	v19 =	vsel vm11, v19, v0  }
0x2ad: {  	v19 =	vmin.u32 v19, v2  }
0x2ae: {  	[tilespmem:v17+s16+$0x0] =	vst.idx.add.f32.msk $0xffff, v3  }
0x2af: {  	v18 =	vadd.f32 v18, v9;
	v17 =	vld [tilespmem:s28+$0x30];
	_ =	sdelay $0x1  }
0x2b0: {  	v18 =	vtrunc.f32 v18  }
0x2b1: {  	v18 =	vcvt.f32.s32 v18;
	[tilespmem:v19+s16+$0x0] =	vst.idx.add.f32.msk $0xffff, v3  }
0x2b2: {  	v19 =	vld [tilespmem:s28+$0xFFFFFFB0]  }
0x2b3: {  	vm13 =	vgt.s32 v18, v4;
	v17 =	vmul.f32 v17, v7  }
0x2b4: {  	v18 =	vsel vm13, v18, v4  }
0x2b5: {  	v18 =	vmin.u32 v18, v5;
	v17 =	vadd.f32 v17, v9;
	_ =	sdelay $0x1  }
0x2b6: {  	v17 =	vtrunc.f32 v17;
	v19 =	vmul.f32 v19, v7  }
0x2b7: {  	v17 =	vcvt.f32.s32 v17  }
0x2b8: {  	v19 =	vadd.f32 v19, v9  }
0x2b9: {  	[tilespmem:v18+s17+$0x0] =	vst.idx.add.f32.msk $0xffff, v3;
	vm12 =	vgt.s32 v17, v4  }
0x2ba: {  	v18 =	vld [tilespmem:s25+$0xFFFFFFC0];
	v22 =	vsel vm12, v17, v4;
	v23 =	vtrunc.f32 v19  }
0x2bb: {  	[tilespmem:v16+s17+$0x0] =	vst.idx.add.f32.msk $0xffff, v3;
	v16 =	vmin.u32 v22, v5;
	v17 =	vcvt.f32.s32 v23  }
0x2bc: {  	v24 =	vld [tilespmem:s25+$0x40]  }
0x2bd: {  	vm14 =	vgt.s32 v17, v4  }
0x2be: {  	v17 =	vsel vm14, v17, v4  }
0x2bf: {  	v18 =	vmul.f32 v18, v6;
	v17 =	vmin.u32 v17, v5  }
0x2c0: {  	[tilespmem:v16+s17+$0x0] =	vst.idx.add.f32.msk $0xffff, v3  }
0x2c1: {  	v18 =	vadd.f32 v18, v8;
	v19 =	vmul.f32 v24, v6;
	v16 =	vld [tilespmem:s28+$0x40];
	_ =	sdelay $0x1  }
0x2c2: {  	v18 =	vtrunc.f32 v18;
	v19 =	vadd.f32 v19, v8  }
0x2c3: {  	v18 =	vcvt.f32.s32 v18;
	[tilespmem:v17+s17+$0x0] =	vst.idx.add.f32.msk $0xffff, v3  }
0x2c4: {  	v19 =	vtrunc.f32 v19;
	v26 =	vld [tilespmem:s28+$0xFFFFFFC0]  }
0x2c5: {  	vm5 =	vgt.s32 v18, v0;
	v25 =	vcvt.f32.s32 v19;
	v16 =	vmul.f32 v16, v6  }
0x2c6: {  	[tilespmem:v13+s14+$0x0] =	vst.idx.add.f32.msk $0xffff, v3;
	v29 =	vsel vm5, v18, v0  }
0x2c7: {  	v13 =	vmin.u32 v29, v2;
	vm15 =	vgt.s32 v25, v0;
	v16 =	vadd.f32 v16, v8  }
0x2c8: {  	v17 =	vsel vm15, v25, v0  }
0x2c9: {  	v16 =	vtrunc.f32 v16;
	v17 =	vmin.u32 v17, v2;
	v19 =	vmul.f32 v26, v6  }
0x2ca: {  	v16 =	vcvt.f32.s32 v16  }
0x2cb: {  	v30 =	vld [tilespmem:s24+$0xFFFFFFD0];
	v19 =	vadd.f32 v19, v8  }
0x2cc: {  	[tilespmem:v13+s14+$0x0] =	vst.idx.add.f32.msk $0xffff, v3;
	vm4 =	vgt.s32 v16, v0  }
0x2cd: {  	v13 =	vld [tilespmem:s25+$0xFFFFFFD0];
	v16 =	vsel vm4, v16, v0;
	v27 =	vtrunc.f32 v19  }
0x2ce: {  	v16 =	vmin.u32 v16, v2;
	[tilespmem:v17+s14+$0x0] =	vst.idx.add.f32.msk $0xffff, v3;
	v17 =	vcvt.f32.s32 v27;
	_ =	sdelay $0x1  }
0x2cf: {  	vm6 =	vgt.s32 v17, v0  }
0x2d0: {  	v18 =	vmul.f32 v30, v7;
	v28 =	vld [tilespmem:s25+$0x50];
	v17 =	vsel vm6, v17, v0  }
0x2d1: {  	v17 =	vmin.u32 v17, v2  }
0x2d2: {  	v18 =	vadd.f32 v18, v9;
	v13 =	vmul.f32 v13, v7;
	[tilespmem:v16+s14+$0x0] =	vst.idx.add.f32.msk $0xffff, v3  }
0x2d3: {  	v15 =	vmin.u32 v15, v5;
	v16 =	vld [tilespmem:s28+$0x50]  }
0x2d4: {  	v18 =	vtrunc.f32 v18;
	v13 =	vadd.f32 v13, v9  }
0x2d5: {  	v18 =	vcvt.f32.s32 v18;
	v19 =	vmul.f32 v28, v7  }
0x2d6: {  	v13 =	vtrunc.f32 v13;
	[tilespmem:v17+s14+$0x0] =	vst.idx.add.f32.msk $0xffff, v3  }
0x2d7: {  	vm8 =	vgt.s32 v18, v4;
	v13 =	vcvt.f32.s32 v13;
	v19 =	vadd.f32 v19, v9;
	v32 =	vld [tilespmem:s28+$0xFFFFFFD0]  }
0x2d8: {  	[tilespmem:v15+s15+$0x0] =	vst.idx.add.f32.msk $0xffff, v3;
	v18 =	vsel vm8, v18, v4;
	v16 =	vmul.f32 v16, v7  }
0x2d9: {  	v35 =	vld [tilespmem:s24+$0x60];
	v18 =	vmin.u32 v18, v5;
	vm10 =	vgt.s32 v13, v4;
	v19 =	vtrunc.f32 v19  }
0x2da: {  	v13 =	vsel vm10, v13, v4;
	v31 =	vcvt.f32.s32 v19;
	v16 =	vadd.f32 v16, v9  }
0x2db: {  	v13 =	vmin.u32 v13, v5  }
0x2dc: {  	vm7 =	vgt.s32 v31, v4;
	v33 =	vtrunc.f32 v16;
	v34 =	vmul.f32 v32, v7  }
0x2dd: {  	v17 =	vsel vm7, v31, v4;
	v15 =	vcvt.f32.s32 v33  }
0x2de: {  	v19 =	vmul.f32 v35, v6;
	v17 =	vmin.u32 v17, v5;
	v16 =	vadd.f32 v34, v9  }
0x2df: {  	v14 =	vmul.f32 v14, v6;
	[tilespmem:v18+s15+$0x0] =	vst.idx.add.f32.msk $0xffff, v3;
	vm9 =	vgt.s32 v15, v4  }
0x2e0: {  	v37 =	vld [tilespmem:s24+$0xFFFFFFE0];
	v36 =	vadd.f32 v19, v8;
	v15 =	vsel vm9, v15, v4;
	v16 =	vtrunc.f32 v16  }
0x2e1: {  	[tilespmem:v13+s15+$0x0] =	vst.idx.add.f32.msk $0xffff, v3;
	v15 =	vmin.u32 v15, v5;
	v16 =	vcvt.f32.s32 v16  }
0x2e2: {  	v14 =	vadd.f32 v14, v8;
	v41 =	vld [tilespmem:s25+$0xFFFFFFE0];
	v18 =	vtrunc.f32 v36  }
0x2e3: {  	v38 =	vcvt.f32.s32 v18;
	[tilespmem:v17+s15+$0x0] =	vst.idx.add.f32.msk $0xffff, v3;
	vm11 =	vgt.s32 v16, v4  }
0x2e4: {  	v14 =	vtrunc.f32 v14;
	v17 =	vld [tilespmem:s25+$0x60];
	v16 =	vsel vm11, v16, v4  }
0x2e5: {  	v14 =	vcvt.f32.s32 v14;
	vm12 =	vgt.s32 v38, v0;
	v16 =	vmin.u32 v16, v5  }
0x2e6: {  	v40 =	vmul.f32 v37, v6;
	[tilespmem:v15+s15+$0x0] =	vst.idx.add.f32.msk $0xffff, v3;
	v15 =	vsel vm12, v38, v0  }
0x2e7: {  	vm13 =	vgt.s32 v14, v0;
	v39 =	vld [tilespmem:s28+$0x60];
	v15 =	vmin.u32 v15, v2  }
0x2e8: {  	v14 =	vsel vm13, v14, v0;
	v13 =	vadd.f32 v40, v8;
	v19 =	vmul.f32 v41, v6  }
0x2e9: {  	v14 =	vmin.u32 v14, v2;
	v17 =	vmul.f32 v17, v6  }
0x2ea: {  	v13 =	vtrunc.f32 v13;
	v44 =	vadd.f32 v19, v8;
	[tilespmem:v16+s15+$0x0] =	vst.idx.add.f32.msk $0xffff, v3  }
0x2eb: {  	v13 =	vcvt.f32.s32 v13;
	v17 =	vadd.f32 v17, v8;
	v43 =	vld [tilespmem:s28+$0xFFFFFFE0]  }
0x2ec: {  	v18 =	vmul.f32 v39, v6;
	[tilespmem:v15+s16+$0x0] =	vst.idx.add.f32.msk $0xffff, v3;
	v15 =	vtrunc.f32 v44  }
0x2ed: {  	vm15 =	vgt.s32 v13, v0;
	v17 =	vtrunc.f32 v17;
	v46 =	vcvt.f32.s32 v15  }
0x2ee: {  	v12 =	vmul.f32 v12, v7;
	[tilespmem:v14+s16+$0x0] =	vst.idx.add.f32.msk $0xffff, v3;
	v13 =	vsel vm15, v13, v0;
	v42 =	vcvt.f32.s32 v17  }
0x2ef: {  	v13 =	vmin.u32 v13, v2;
	v18 =	vadd.f32 v18, v8;
	vm5 =	vgt.s32 v46, v0  }
0x2f0: {  	vm14 =	vgt.s32 v42, v0;
	v14 =	vsel vm5, v46, v0;
	v17 =	vmul.f32 v43, v6  }
0x2f1: {  	v18 =	vtrunc.f32 v18;
	v16 =	vsel vm14, v42, v0;
	v14 =	vmin.u32 v14, v2  }
0x2f2: {  	v18 =	vcvt.f32.s32 v18;
	v16 =	vmin.u32 v16, v2;
	v17 =	vadd.f32 v17, v8  }
0x2f3: {  	v47 =	vld [tilespmem:s23+$0xFFFFFFF0]  }
0x2f4: {  	v12 =	vadd.f32 v12, v9;
	v45 =	vld [tilespmem:s24+$0x70];
	vm4 =	vgt.s32 v18, v0;
	v17 =	vtrunc.f32 v17  }
0x2f5: {  	[tilespmem:v13+s16+$0x0] =	vst.idx.add.f32.msk $0xffff, v3;
	v18 =	vsel vm4, v18, v0;
	v17 =	vcvt.f32.s32 v17  }
0x2f6: {  	v12 =	vtrunc.f32 v12;
	v48 =	vmin.u32 v18, v2;
	[tilespmem:v14+s16+$0x0] =	vst.idx.add.f32.msk $0xffff, v3  }
0x2f7: {  	v12 =	vcvt.f32.s32 v12;
	[tilespmem:v16+s16+$0x0] =	vst.idx.add.f32.msk $0xffff, v3;
	vm6 =	vgt.s32 v17, v0  }
0x2f8: {  	v57 =	vld [tilespmem:s25+$0xFFFFFFF0];
	v51 =	vsel vm6, v17, v0  }
0x2f9: {  	vm8 =	vgt.s32 v12, v4;
	v49 =	vmul.f32 v45, v7;
	v50 =	vld [tilespmem:s25+$0x70];
	v13 =	vmin.u32 v51, v2  }
0x2fa: {  	v10 =	vsel vm0, v10, v4;
	v12 =	vsel vm8, v12, v4;
	v52 =	vld [tilespmem:s24+$0xFFFFFFF0]  }
0x2fb: {  	v15 =	vmul.f32 v47, v7;
	v18 =	vadd.f32 v49, v9;
	[tilespmem:v48+s16+$0x0] =	vst.idx.add.f32.msk $0xffff, v3  }
0x2fc: {  	v10 =	vmin.u32 v10, v5;
	v12 =	vmin.u32 v12, v5;
	vm7 =	vgt.s32 v11, v4;
	v54 =	vld [tilespmem:s28+$0x70]  }
0x2fd: {  	v55 =	vadd.f32 v15, v9;
	v18 =	vtrunc.f32 v18;
	v16 =	vmul.f32 v57, v7  }
0x2fe: {  	v11 =	vsel vm7, v11, v4;
	v18 =	vcvt.f32.s32 v18;
	v53 =	vmul.f32 v50, v7;
	[tilespmem:v13+s16+$0x0] =	vst.idx.add.f32.msk $0xffff, v3  }
0x2ff: {  	v11 =	vmin.u32 v11, v5;
	v58 =	vtrunc.f32 v55;
	v16 =	vadd.f32 v16, v9;
	v60 =	vld [tilespmem:s28+$0xFFFFFFF0]  }
0x300: {  	vm9 =	vgt.s32 v18, v4;
	v56 =	vadd.f32 v53, v9;
	v17 =	vmul.f32 v52, v7  }
0x301: {  	v18 =	vsel vm9, v18, v4;
	v19 =	vmul.f32 v54, v7;
	v16 =	vtrunc.f32 v16  }
0x302: {  	[tilespmem:v10+s17+$0x0] =	vst.idx.add.f32.msk $0xffff, v3;
	v59 =	vtrunc.f32 v56;
	v17 =	vadd.f32 v17, v9;
	v10 =	vcvt.f32.s32 v16  }
0x303: {  	v18 =	vmin.u32 v18, v5;
	v14 =	vcvt.f32.s32 v59;
	v19 =	vadd.f32 v19, v9  }
0x304: {  	v17 =	vtrunc.f32 v17;
	vm14 =	vgt.s32 v10, v4;
	v15 =	vmul.f32 v60, v7  }
0x305: {  	vm11 =	vgt.s32 v14, v4;
	v19 =	vtrunc.f32 v19;
	v61 =	vcvt.f32.s32 v17  }
0x306: {  	v10 =	vsel vm14, v10, v4;
	v13 =	vcvt.f32.s32 v58;
	v15 =	vadd.f32 v15, v9  }
0x307: {  	v14 =	vsel vm11, v14, v4;
	v19 =	vcvt.f32.s32 v19;
	v10 =	vmin.u32 v10, v5  }
0x308: {  	[tilespmem:v12+s17+$0x0] =	vst.idx.add.f32.msk $0xffff, v3;
	v14 =	vmin.u32 v14, v5;
	vm10 =	vgt.s32 v13, v4;
	v15 =	vtrunc.f32 v15  }
0x309: {  	[tilespmem:v11+s17+$0x0] =	vst.idx.add.f32.msk $0xffff, v3;
	vm12 =	vgt.s32 v19, v4;
	v13 =	vsel vm10, v13, v4;
	v15 =	vcvt.f32.s32 v15  }
0x30a: {  	vm13 =	vgt.s32 v61, v4;
	v62 =	vsel vm12, v19, v4;
	v11 =	vmin.u32 v13, v5  }
0x30b: {  	v13 =	vsel vm13, v61, v4;
	v16 =	vmin.u32 v62, v5;
	vm15 =	vgt.s32 v15, v4  }
0x30c: {  	s22 =	sadd.s32 $0x1, s22;
	[tilespmem:v18+s17+$0x0] =	vst.idx.add.f32.msk $0xffff, v3;
	v13 =	vmin.u32 v13, v5;
	v63 =	vsel vm15, v15, v4  }
0x30d: {  	p0 =	sne.s32 s22, $0x10;
	[tilespmem:v10+s17+$0x0] =	vst.idx.add.f32.msk $0xffff, v3;
	v12 =	vmin.u32 v63, v5  }
.Ltmp3:
0x30e: {  	[tilespmem:v14+s17+$0x0] =	vst.idx.add.f32.msk $0xffff, v3;
	(pc) =	sbr.rel @p0 .LBB2_4-.Ltmp3, $4  }
0x30f: {  	[tilespmem:v11+s17+$0x0] =	vst.idx.add.f32.msk $0xffff, v3  }
0x310: {  	[tilespmem:v16+s17+$0x0] =	vst.idx.add.f32.msk $0xffff, v3  }
0x311: {  	[tilespmem:v13+s17+$0x0] =	vst.idx.add.f32.msk $0xffff, v3  }
0x312: {  	[tilespmem:v12+s17+$0x0] =	vst.idx.add.f32.msk $0xffff, v3  }
0x313: {  	s22 =	simm.s32 $0x0  }
0x314: {  	v6 =	vld [tilespmem:s22+$0x10880]  }
0x315: {  	v7 =	vld [tilespmem:s22+$0x11080]  }
0x316: {  	s23 =	simm.s32 $0x40;
	v8 =	vld [tilespmem:s22+$0x11880]  }
.LBB2_10:
0x317: {  	p0 =	sne.s32 s23, $0x1FC0;
	v9 =	vld [tilespmem:s22+$0x10080];
	_ =	sdelay $0x4  }
.Ltmp4:
0x318: {  	v7 =	vadd.f32 v8, v7;
	v9 =	vadd.f32 v6, v9;
	(pc) =	sbr.rel @p0 .LBB2_10-.Ltmp4, $4  }
0x319: {  	s24 =	sshra.s32 s23, $0x2  }
0x31a: {  	v6 =	vld [tilespmem:s24+$0x10880];
	v9 =	vadd.f32 v7, v9  }
0x31b: {  	v7 =	vld [tilespmem:s24+$0x11080]  }
0x31c: {  	s23 =	sadd.s32 $0x40, s23;
	v8 =	vld [tilespmem:s24+$0x11880];
	[tilespmem:s22+$0x10080] =	vst v9;
	s22 =	smov.u32 s24  }
0x31d: {  	v9 =	vld [tilespmem:s22+$0x10080];
	_ =	sdelay $0x4  }
0x31e: {  	v7 =	vadd.f32 v8, v7;
	v6 =	vadd.f32 v6, v9;
	_ =	sdelay $0x1  }
0x31f: {  	s21 =	sadd.s32 $0x1, s21;
	v6 =	vadd.f32 v7, v6  }
0x320: {  	p0 =	sne.s32 s21, s8  }
.Ltmp5:
0x321: {  	[tilespmem:s22+$0x10080] =	vst v6;
	(pc) =	sbr.rel @p0 .LBB2_1-.Ltmp5, $4  }
0x322: {  	[hbm4b:s7+s19] =	stream.strided.scatter [tilespmem:s14], [sflag:$0x3], $0x800, s20, s19, $0x38;
	[tilespmem:$0x12080] =	vst v63  }
0x323: {  	_ =	swait.ge [sflag:s10], $0x800  }
0x324: {  	[sflag:s10] =	ssyncset.done $0x0  }
0x325: {  	[sflag:s10] =	ssyncadd.s32 $0xFFFFF800  }
0x326: {  	_ =	sfence.sel $0x180000  }
0x327: {  	[bflag:$0x0] =	sbarrier.arrive $0xFFFF  }
0x328: {  	p0 =	sne.s32 s1, $0x0;
	_ =	strace $0x90000047  }
0x329: {  	s0 =	sadd.s32 @!p0 $0x100000, s0;
	[bflag:$0x2] =	sbarrier.arrive $0xFFFF  }
0x32a: {  	[sflag:s0] =	ssyncadd.tile.s32 @!p0 $0x1;
	_ =	shalt  }
.Lfunc_end2:
_tile_overlayer_lowered:
.L_overlay_start_2:
0x32b: {  	(tag) =	ssettag $0x2  }
0x32c: {  	s0 =	rddreg [dreg:$0x0];
	s2 =	stileid.u32  }
0x32d: {  	s1 =	rddreg [dreg:$0x1];
	p0 =	sne.s32 s2, $0x0  }
0x32e: {  	s3 =	rddreg [dreg:$0x2];
	[bflag:$0x3] =	sbarrier.arrive $0xFFFF;
	s2 =	simm.s32 @!p0 $0x1C03  }
0x32f: {  	[timem:s3], [sflag:s2] =	dma.local @!p0 [hbm:s0], s1  }
0x330: {  	s0 =	simm.s32 @!p0 $0x3  }
0x331: {  	_ =	swait.ge @!p0 [sflag:s0], s1  }
0x332: {  	s1 =	ssub.s32 @!p0 $0x0, s1;
	[sflag:s0] =	ssyncset.done @!p0 $0x0  }
0x333: {  	[sflag:s0] =	ssyncadd.s32 @!p0 s1  }
0x334: {  	[bflag:$0x3] =	sbarrier.arrive $0xFFFF  }
0x335: {  	_ =	shalt  }

</sc_bundles>
